<compile_context>
chip_gen: v7x
topology: tpu7x:2x2x1
jax: 0.10.2.dev20260603
libtpu: 0.0.44.dev20260713+nightly
codegen_flags: <defaults>
</compile_context>

<pallas_src>
import functools

import jax
import jax.numpy as jnp
from jax import lax
from jax.experimental import pallas as pl
from jax.experimental.pallas import tpu as pltpu
from jax.experimental.pallas import tpu_sc as plsc

B = 4096
N = 20
S = 20
E = 32

NC, NS = 2, 16
NW = NC * NS
BPW = B // NW
CB = 4
CI = CB * N * S
CR = CB * S
GSZ = 80
GPC = CI // GSZ
NCHUNK = BPW // CB


def _sc_body(idx_hbm, table_hbm, out_hbm, idx_v, rows_v, out_v, sem):
    wid = lax.axis_index("s") * NC + lax.axis_index("c")
    wb = wid * BPW

    def acc_body(r, carry):
        bb = r // S
        s = r - bb * S
        base = bb * (N * S) + s
        a0 = rows_v[base, pl.ds(0, 16)]
        a1 = rows_v[base, pl.ds(16, 16)]
        for n in range(1, N):
            a0 = a0 + rows_v[base + n * S, pl.ds(0, 16)]
            a1 = a1 + rows_v[base + n * S, pl.ds(16, 16)]
        out_v[bb, s, pl.ds(0, 16)] = a0
        out_v[bb, s, pl.ds(16, 16)] = a1
        return carry

    def chunk_body(c, carry):
        b0 = wb + c * CB
        pltpu.sync_copy(idx_hbm.at[pl.ds(b0, CB), :], idx_v)
        descs = [
            pltpu.async_copy(
                table_hbm.at[idx_v.at[bb, pl.ds(g * GSZ, GSZ)]],
                rows_v.at[pl.ds(bb * (N * S) + g * GSZ, GSZ), :],
                sem,
            )
            for bb in range(CB)
            for g in range(N * S // GSZ)
        ]
        for d in descs:
            d.wait()
        lax.fori_loop(0, CR, acc_body, 0)
        pltpu.sync_copy(out_v, out_hbm.at[pl.ds(b0, CB), 0, :, :])
        return carry

    lax.fori_loop(0, NCHUNK, chunk_body, 0)


@functools.cache
def _sc_call():
    return functools.partial(
        pl.kernel,
        out_type=jax.ShapeDtypeStruct((B, 1, S, E), jnp.float32),
        mesh=plsc.VectorSubcoreMesh(
            core_axis_name="c", subcore_axis_name="s",
            num_cores=NC, num_subcores=NS,
        ),
        scratch_types=[
            pltpu.VMEM((CB, N * S), jnp.int32),
            pltpu.VMEM((CI, E), jnp.float32),
            pltpu.VMEM((CB, S, E), jnp.float32),
            pltpu.SemaphoreType.DMA,
        ],
        compiler_params=pltpu.CompilerParams(use_tc_tiling_on_sc=False),
    )(_sc_body)


def kernel(x, table):
    return _sc_call()(x.reshape(B, N * S), table)

# --- scband reference (transcript-rebuilt; emitter-appended) ---
"""Pipeline reference for scband-cbow-23381801959774 (READ-ONLY COPY).

The authoritative reference and input builder live on the scoring server;
editing this copy changes nothing except your own understanding.
"""

import jax, jax.numpy as jnp
import numpy as np

VOCAB = 1000000
EMBED = 32
PAD_IDX = 0

def setup_inputs(seed: int = 0) -> dict:
    key = jax.random.key(seed)
    k1, k2 = jax.random.split(key)
    x = jax.random.randint(k1, (4096, 20, 20), 0, VOCAB)
    table = jax.random.normal(k2, (VOCAB, EMBED), dtype=jnp.float32)
    # nn.Embedding with padding_idx zeros the padding row at init
    table = table.at[PAD_IDX].set(0.0)
    return {"x": x, "table": table}

def reference(x, table):
    # embeddings(x): gather rows -> [B, neighbor, subseq, embed]
    emb = jnp.take(table, x, axis=0)
    # .sum(dim=1, keepdim=True) -> [B, 1, subseq, embed]
    return emb.sum(axis=1, keepdims=True)

if __name__ == "__main__":
    import jax
    _d = setup_inputs()
    print(jax.jit(kernel)(*tuple(_d.values())))

</pallas_src>

<mosaic_0001>
#map = affine_map<(d0, d1) -> (0, 0)>
#map1 = affine_map<(d0, d1) -> (0, 0, 0, 0)>
module attributes {stable_mosaic.version = 14 : i64} {
  func.func @_sc_body(%arg0: i32, %arg1: i32, %arg2: memref<4096x400xi32, #tpu.memory_space<hbm>>, %arg3: memref<1000000x32xf32, #tpu.memory_space<hbm>>, %arg4: memref<4096x1x20x32xf32, #tpu.memory_space<hbm>>, %arg5: memref<4x400xi32, #tpu.memory_space<vmem>>, %arg6: memref<1600x32xf32, #tpu.memory_space<vmem>>, %arg7: memref<4x20x32xf32, #tpu.memory_space<vmem>>, %arg8: memref<!tpu.dma_semaphore, #tpu.memory_space<semaphore_mem>>) attributes {dimension_semantics = [#tpu.dimension_semantics<core_parallel>, #tpu.dimension_semantics<subcore_parallel>], iteration_bounds = array<i64: 2, 16>, scalar_prefetch = 0 : i64, scratch_operands = 4 : i64, tpu.core_type = #tpu.core_type<sc_vector_subcore>, window_params = [{transform_indices = #map}, {transform_indices = #map}, {transform_indices = #map1}]} {
    %mul3A = arith.constant 2 : i32
    %mul3A_0 = arith.muli %arg1, %mul3A : i32
    %add3A = arith.addi %mul3A_0, %arg0 : i32
    %mul3A_1 = arith.constant 128 : i32
    %mul3A_2 = arith.muli %add3A, %mul3A_1 : i32
    %scan3A = arith.constant 0 : i32
    %scan3A_3 = arith.constant 0 : i32
    %scan3A_4 = arith.constant 32 : i32
    %scan3A_5 = arith.addi %scan3A_3, %scan3A_4 : i32
    %scan3A_6 = arith.constant 1 : i32
    scf.for %scan3A_8 = %scan3A_3 to %scan3A_5 step %scan3A_6  : i32 {
      %mul3A_9 = arith.constant 4 : i32
      %mul3A_10 = arith.muli %scan3A_8, %mul3A_9 : i32
      %add3A_11 = arith.addi %mul3A_2, %mul3A_10 : i32
      "tpu.region"() ({
        %run_scoped3A_416 = tpu.sem_alloc : memref<!tpu.dma_semaphore, #tpu.memory_space<semaphore_mem>>
        %dma_start3A_417 = arith.constant 0 : i32
        %dma_start3A_418 = tpu.memref_slice %arg2[%add3A_11, %dma_start3A_417] : memref<4096x400xi32, #tpu.memory_space<hbm>> -> memref<4x400xi32, #tpu.memory_space<hbm>>
        %dma_start3A_419 = arith.constant 0 : i32
        %dma_start3A_420 = tpu.memref_slice %arg2[%add3A_11, %dma_start3A_419] : memref<4096x400xi32, #tpu.memory_space<hbm>> -> memref<4x400xi32, #tpu.memory_space<hbm>>
        tpu.enqueue_dma source(%dma_start3A_420 : memref<4x400xi32, #tpu.memory_space<hbm>>) target(%arg5 : memref<4x400xi32, #tpu.memory_space<vmem>>) target_semaphore(%run_scoped3A_416 : memref<!tpu.dma_semaphore, #tpu.memory_space<semaphore_mem>>)
        %dma_wait3A_421 = arith.constant 0 : i32
        %dma_wait3A_422 = tpu.memref_slice %arg2[%add3A_11, %dma_wait3A_421] : memref<4096x400xi32, #tpu.memory_space<hbm>> -> memref<4x400xi32, #tpu.memory_space<hbm>>
        %dma_wait3A_423 = arith.constant 0 : i32
        %dma_wait3A_424 = tpu.memref_slice %arg2[%add3A_11, %dma_wait3A_423] : memref<4096x400xi32, #tpu.memory_space<hbm>> -> memref<4x400xi32, #tpu.memory_space<hbm>>
        tpu.wait_dma2 semaphore(%run_scoped3A_416 : memref<!tpu.dma_semaphore, #tpu.memory_space<semaphore_mem>>) src(%dma_wait3A_424 : memref<4x400xi32, #tpu.memory_space<hbm>>) dst(%arg5 : memref<4x400xi32, #tpu.memory_space<vmem>>)
        tpu.yield
      }) : () -> ()
      %dma_start3A = arith.constant 0 : i32
      %dma_start3A_12 = arith.constant 0 : i32
      %dma_start3A_13 = arith.constant 0 : i32
      %dma_start3A_14 = tpu.memref_slice %arg6[%dma_start3A_12, %dma_start3A_13] : memref<1600x32xf32, #tpu.memory_space<vmem>> -> memref<80x32xf32, #tpu.memory_space<vmem>>
      %dma_start3A_15 = arith.constant 0 : i32
      %dma_start3A_16 = tpu.memref_slice %arg5[%dma_start3A, %dma_start3A_15] : memref<4x400xi32, #tpu.memory_space<vmem>> -> memref<1x80xi32, #tpu.memory_space<vmem>>
      %dma_start3A_17 = tpu.memref_squeeze %dma_start3A_16 : memref<1x80xi32, #tpu.memory_space<vmem>> -> memref<80xi32, #tpu.memory_space<vmem>>
      %dma_start3A_18 = arith.constant 0 : i32
      %dma_start3A_19 = arith.constant 0 : i32
      %dma_start3A_20 = tpu.memref_slice %arg3[%dma_start3A_18, %dma_start3A_19] : memref<1000000x32xf32, #tpu.memory_space<hbm>> -> memref<1000000x32xf32, #tpu.memory_space<hbm>>
      tpu.enqueue_indirect_dma source(%dma_start3A_20 : memref<1000000x32xf32, #tpu.memory_space<hbm>>) target(%dma_start3A_14 : memref<80x32xf32, #tpu.memory_space<vmem>>) offsets(%dma_start3A_17 : memref<80xi32, #tpu.memory_space<vmem>>) semaphore(%arg8 : memref<!tpu.dma_semaphore, #tpu.memory_space<semaphore_mem>>)
      %dma_start3A_21 = arith.constant 0 : i32
      %dma_start3A_22 = arith.constant 80 : i32
      %dma_start3A_23 = arith.constant 0 : i32
      %dma_start3A_24 = tpu.memref_slice %arg6[%dma_start3A_22, %dma_start3A_23] : memref<1600x32xf32, #tpu.memory_space<vmem>> -> memref<80x32xf32, #tpu.memory_space<vmem>>
      %dma_start3A_25 = arith.constant 80 : i32
      %dma_start3A_26 = tpu.memref_slice %arg5[%dma_start3A_21, %dma_start3A_25] : memref<4x400xi32, #tpu.memory_space<vmem>> -> memref<1x80xi32, #tpu.memory_space<vmem>>
      %dma_start3A_27 = tpu.memref_squeeze %dma_start3A_26 : memref<1x80xi32, #tpu.memory_space<vmem>> -> memref<80xi32, #tpu.memory_space<vmem>>
      %dma_start3A_28 = arith.constant 0 : i32
      %dma_start3A_29 = arith.constant 0 : i32
      %dma_start3A_30 = tpu.memref_slice %arg3[%dma_start3A_28, %dma_start3A_29] : memref<1000000x32xf32, #tpu.memory_space<hbm>> -> memref<1000000x32xf32, #tpu.memory_space<hbm>>
      tpu.enqueue_indirect_dma source(%dma_start3A_30 : memref<1000000x32xf32, #tpu.memory_space<hbm>>) target(%dma_start3A_24 : memref<80x32xf32, #tpu.memory_space<vmem>>) offsets(%dma_start3A_27 : memref<80xi32, #tpu.memory_space<vmem>>) semaphore(%arg8 : memref<!tpu.dma_semaphore, #tpu.memory_space<semaphore_mem>>)
      %dma_start3A_31 = arith.constant 0 : i32
      %dma_start3A_32 = arith.constant 160 : i32
      %dma_start3A_33 = arith.constant 0 : i32
      %dma_start3A_34 = tpu.memref_slice %arg6[%dma_start3A_32, %dma_start3A_33] : memref<1600x32xf32, #tpu.memory_space<vmem>> -> memref<80x32xf32, #tpu.memory_space<vmem>>
      %dma_start3A_35 = arith.constant 160 : i32
      %dma_start3A_36 = tpu.memref_slice %arg5[%dma_start3A_31, %dma_start3A_35] : memref<4x400xi32, #tpu.memory_space<vmem>> -> memref<1x80xi32, #tpu.memory_space<vmem>>
      %dma_start3A_37 = tpu.memref_squeeze %dma_start3A_36 : memref<1x80xi32, #tpu.memory_space<vmem>> -> memref<80xi32, #tpu.memory_space<vmem>>
      %dma_start3A_38 = arith.constant 0 : i32
      %dma_start3A_39 = arith.constant 0 : i32
      %dma_start3A_40 = tpu.memref_slice %arg3[%dma_start3A_38, %dma_start3A_39] : memref<1000000x32xf32, #tpu.memory_space<hbm>> -> memref<1000000x32xf32, #tpu.memory_space<hbm>>
      tpu.enqueue_indirect_dma source(%dma_start3A_40 : memref<1000000x32xf32, #tpu.memory_space<hbm>>) target(%dma_start3A_34 : memref<80x32xf32, #tpu.memory_space<vmem>>) offsets(%dma_start3A_37 : memref<80xi32, #tpu.memory_space<vmem>>) semaphore(%arg8 : memref<!tpu.dma_semaphore, #tpu.memory_space<semaphore_mem>>)
      %dma_start3A_41 = arith.constant 0 : i32
      %dma_start3A_42 = arith.constant 240 : i32
      %dma_start3A_43 = arith.constant 0 : i32
      %dma_start3A_44 = tpu.memref_slice %arg6[%dma_start3A_42, %dma_start3A_43] : memref<1600x32xf32, #tpu.memory_space<vmem>> -> memref<80x32xf32, #tpu.memory_space<vmem>>
      %dma_start3A_45 = arith.constant 240 : i32
      %dma_start3A_46 = tpu.memref_slice %arg5[%dma_start3A_41, %dma_start3A_45] : memref<4x400xi32, #tpu.memory_space<vmem>> -> memref<1x80xi32, #tpu.memory_space<vmem>>
      %dma_start3A_47 = tpu.memref_squeeze %dma_start3A_46 : memref<1x80xi32, #tpu.memory_space<vmem>> -> memref<80xi32, #tpu.memory_space<vmem>>
      %dma_start3A_48 = arith.constant 0 : i32
      %dma_start3A_49 = arith.constant 0 : i32
      %dma_start3A_50 = tpu.memref_slice %arg3[%dma_start3A_48, %dma_start3A_49] : memref<1000000x32xf32, #tpu.memory_space<hbm>> -> memref<1000000x32xf32, #tpu.memory_space<hbm>>
      tpu.enqueue_indirect_dma source(%dma_start3A_50 : memref<1000000x32xf32, #tpu.memory_space<hbm>>) target(%dma_start3A_44 : memref<80x32xf32, #tpu.memory_space<vmem>>) offsets(%dma_start3A_47 : memref<80xi32, #tpu.memory_space<vmem>>) semaphore(%arg8 : memref<!tpu.dma_semaphore, #tpu.memory_space<semaphore_mem>>)
      %dma_start3A_51 = arith.constant 0 : i32
      %dma_start3A_52 = arith.constant 320 : i32
      %dma_start3A_53 = arith.constant 0 : i32
      %dma_start3A_54 = tpu.memref_slice %arg6[%dma_start3A_52, %dma_start3A_53] : memref<1600x32xf32, #tpu.memory_space<vmem>> -> memref<80x32xf32, #tpu.memory_space<vmem>>
      %dma_start3A_55 = arith.constant 320 : i32
      %dma_start3A_56 = tpu.memref_slice %arg5[%dma_start3A_51, %dma_start3A_55] : memref<4x400xi32, #tpu.memory_space<vmem>> -> memref<1x80xi32, #tpu.memory_space<vmem>>
      %dma_start3A_57 = tpu.memref_squeeze %dma_start3A_56 : memref<1x80xi32, #tpu.memory_space<vmem>> -> memref<80xi32, #tpu.memory_space<vmem>>
      %dma_start3A_58 = arith.constant 0 : i32
      %dma_start3A_59 = arith.constant 0 : i32
      %dma_start3A_60 = tpu.memref_slice %arg3[%dma_start3A_58, %dma_start3A_59] : memref<1000000x32xf32, #tpu.memory_space<hbm>> -> memref<1000000x32xf32, #tpu.memory_space<hbm>>
      tpu.enqueue_indirect_dma source(%dma_start3A_60 : memref<1000000x32xf32, #tpu.memory_space<hbm>>) target(%dma_start3A_54 : memref<80x32xf32, #tpu.memory_space<vmem>>) offsets(%dma_start3A_57 : memref<80xi32, #tpu.memory_space<vmem>>) semaphore(%arg8 : memref<!tpu.dma_semaphore, #tpu.memory_space<semaphore_mem>>)
      %dma_start3A_61 = arith.constant 1 : i32
      %dma_start3A_62 = arith.constant 400 : i32
      %dma_start3A_63 = arith.constant 0 : i32
      %dma_start3A_64 = tpu.memref_slice %arg6[%dma_start3A_62, %dma_start3A_63] : memref<1600x32xf32, #tpu.memory_space<vmem>> -> memref<80x32xf32, #tpu.memory_space<vmem>>
      %dma_start3A_65 = arith.constant 0 : i32
      %dma_start3A_66 = tpu.memref_slice %arg5[%dma_start3A_61, %dma_start3A_65] : memref<4x400xi32, #tpu.memory_space<vmem>> -> memref<1x80xi32, #tpu.memory_space<vmem>>
      %dma_start3A_67 = tpu.memref_squeeze %dma_start3A_66 : memref<1x80xi32, #tpu.memory_space<vmem>> -> memref<80xi32, #tpu.memory_space<vmem>>
      %dma_start3A_68 = arith.constant 0 : i32
      %dma_start3A_69 = arith.constant 0 : i32
      %dma_start3A_70 = tpu.memref_slice %arg3[%dma_start3A_68, %dma_start3A_69] : memref<1000000x32xf32, #tpu.memory_space<hbm>> -> memref<1000000x32xf32, #tpu.memory_space<hbm>>
      tpu.enqueue_indirect_dma source(%dma_start3A_70 : memref<1000000x32xf32, #tpu.memory_space<hbm>>) target(%dma_start3A_64 : memref<80x32xf32, #tpu.memory_space<vmem>>) offsets(%dma_start3A_67 : memref<80xi32, #tpu.memory_space<vmem>>) semaphore(%arg8 : memref<!tpu.dma_semaphore, #tpu.memory_space<semaphore_mem>>)
      %dma_start3A_71 = arith.constant 1 : i32
      %dma_start3A_72 = arith.constant 480 : i32
      %dma_start3A_73 = arith.constant 0 : i32
      %dma_start3A_74 = tpu.memref_slice %arg6[%dma_start3A_72, %dma_start3A_73] : memref<1600x32xf32, #tpu.memory_space<vmem>> -> memref<80x32xf32, #tpu.memory_space<vmem>>
      %dma_start3A_75 = arith.constant 80 : i32
      %dma_start3A_76 = tpu.memref_slice %arg5[%dma_start3A_71, %dma_start3A_75] : memref<4x400xi32, #tpu.memory_space<vmem>> -> memref<1x80xi32, #tpu.memory_space<vmem>>
      %dma_start3A_77 = tpu.memref_squeeze %dma_start3A_76 : memref<1x80xi32, #tpu.memory_space<vmem>> -> memref<80xi32, #tpu.memory_space<vmem>>
      %dma_start3A_78 = arith.constant 0 : i32
      %dma_start3A_79 = arith.constant 0 : i32
      %dma_start3A_80 = tpu.memref_slice %arg3[%dma_start3A_78, %dma_start3A_79] : memref<1000000x32xf32, #tpu.memory_space<hbm>> -> memref<1000000x32xf32, #tpu.memory_space<hbm>>
      tpu.enqueue_indirect_dma source(%dma_start3A_80 : memref<1000000x32xf32, #tpu.memory_space<hbm>>) target(%dma_start3A_74 : memref<80x32xf32, #tpu.memory_space<vmem>>) offsets(%dma_start3A_77 : memref<80xi32, #tpu.memory_space<vmem>>) semaphore(%arg8 : memref<!tpu.dma_semaphore, #tpu.memory_space<semaphore_mem>>)
      %dma_start3A_81 = arith.constant 1 : i32
      %dma_start3A_82 = arith.constant 560 : i32
      %dma_start3A_83 = arith.constant 0 : i32
      %dma_start3A_84 = tpu.memref_slice %arg6[%dma_start3A_82, %dma_start3A_83] : memref<1600x32xf32, #tpu.memory_space<vmem>> -> memref<80x32xf32, #tpu.memory_space<vmem>>
      %dma_start3A_85 = arith.constant 160 : i32
      %dma_start3A_86 = tpu.memref_slice %arg5[%dma_start3A_81, %dma_start3A_85] : memref<4x400xi32, #tpu.memory_space<vmem>> -> memref<1x80xi32, #tpu.memory_space<vmem>>
      %dma_start3A_87 = tpu.memref_squeeze %dma_start3A_86 : memref<1x80xi32, #tpu.memory_space<vmem>> -> memref<80xi32, #tpu.memory_space<vmem>>
      %dma_start3A_88 = arith.constant 0 : i32
      %dma_start3A_89 = arith.constant 0 : i32
      %dma_start3A_90 = tpu.memref_slice %arg3[%dma_start3A_88, %dma_start3A_89] : memref<1000000x32xf32, #tpu.memory_space<hbm>> -> memref<1000000x32xf32, #tpu.memory_space<hbm>>
      tpu.enqueue_indirect_dma source(%dma_start3A_90 : memref<1000000x32xf32, #tpu.memory_space<hbm>>) target(%dma_start3A_84 : memref<80x32xf32, #tpu.memory_space<vmem>>) offsets(%dma_start3A_87 : memref<80xi32, #tpu.memory_space<vmem>>) semaphore(%arg8 : memref<!tpu.dma_semaphore, #tpu.memory_space<semaphore_mem>>)
      %dma_start3A_91 = arith.constant 1 : i32
      %dma_start3A_92 = arith.constant 640 : i32
      %dma_start3A_93 = arith.constant 0 : i32
      %dma_start3A_94 = tpu.memref_slice %arg6[%dma_start3A_92, %dma_start3A_93] : memref<1600x32xf32, #tpu.memory_space<vmem>> -> memref<80x32xf32, #tpu.memory_space<vmem>>
      %dma_start3A_95 = arith.constant 240 : i32
      %dma_start3A_96 = tpu.memref_slice %arg5[%dma_start3A_91, %dma_start3A_95] : memref<4x400xi32, #tpu.memory_space<vmem>> -> memref<1x80xi32, #tpu.memory_space<vmem>>
      %dma_start3A_97 = tpu.memref_squeeze %dma_start3A_96 : memref<1x80xi32, #tpu.memory_space<vmem>> -> memref<80xi32, #tpu.memory_space<vmem>>
      %dma_start3A_98 = arith.constant 0 : i32
      %dma_start3A_99 = arith.constant 0 : i32
      %dma_start3A_100 = tpu.memref_slice %arg3[%dma_start3A_98, %dma_start3A_99] : memref<1000000x32xf32, #tpu.memory_space<hbm>> -> memref<1000000x32xf32, #tpu.memory_space<hbm>>
      tpu.enqueue_indirect_dma source(%dma_start3A_100 : memref<1000000x32xf32, #tpu.memory_space<hbm>>) target(%dma_start3A_94 : memref<80x32xf32, #tpu.memory_space<vmem>>) offsets(%dma_start3A_97 : memref<80xi32, #tpu.memory_space<vmem>>) semaphore(%arg8 : memref<!tpu.dma_semaphore, #tpu.memory_space<semaphore_mem>>)
      %dma_start3A_101 = arith.constant 1 : i32
      %dma_start3A_102 = arith.constant 720 : i32
      %dma_start3A_103 = arith.constant 0 : i32
      %dma_start3A_104 = tpu.memref_slice %arg6[%dma_start3A_102, %dma_start3A_103] : memref<1600x32xf32, #tpu.memory_space<vmem>> -> memref<80x32xf32, #tpu.memory_space<vmem>>
      %dma_start3A_105 = arith.constant 320 : i32
      %dma_start3A_106 = tpu.memref_slice %arg5[%dma_start3A_101, %dma_start3A_105] : memref<4x400xi32, #tpu.memory_space<vmem>> -> memref<1x80xi32, #tpu.memory_space<vmem>>
      %dma_start3A_107 = tpu.memref_squeeze %dma_start3A_106 : memref<1x80xi32, #tpu.memory_space<vmem>> -> memref<80xi32, #tpu.memory_space<vmem>>
      %dma_start3A_108 = arith.constant 0 : i32
      %dma_start3A_109 = arith.constant 0 : i32
      %dma_start3A_110 = tpu.memref_slice %arg3[%dma_start3A_108, %dma_start3A_109] : memref<1000000x32xf32, #tpu.memory_space<hbm>> -> memref<1000000x32xf32, #tpu.memory_space<hbm>>
      tpu.enqueue_indirect_dma source(%dma_start3A_110 : memref<1000000x32xf32, #tpu.memory_space<hbm>>) target(%dma_start3A_104 : memref<80x32xf32, #tpu.memory_space<vmem>>) offsets(%dma_start3A_107 : memref<80xi32, #tpu.memory_space<vmem>>) semaphore(%arg8 : memref<!tpu.dma_semaphore, #tpu.memory_space<semaphore_mem>>)
      %dma_start3A_111 = arith.constant 2 : i32
      %dma_start3A_112 = arith.constant 800 : i32
      %dma_start3A_113 = arith.constant 0 : i32
      %dma_start3A_114 = tpu.memref_slice %arg6[%dma_start3A_112, %dma_start3A_113] : memref<1600x32xf32, #tpu.memory_space<vmem>> -> memref<80x32xf32, #tpu.memory_space<vmem>>
      %dma_start3A_115 = arith.constant 0 : i32
      %dma_start3A_116 = tpu.memref_slice %arg5[%dma_start3A_111, %dma_start3A_115] : memref<4x400xi32, #tpu.memory_space<vmem>> -> memref<1x80xi32, #tpu.memory_space<vmem>>
      %dma_start3A_117 = tpu.memref_squeeze %dma_start3A_116 : memref<1x80xi32, #tpu.memory_space<vmem>> -> memref<80xi32, #tpu.memory_space<vmem>>
      %dma_start3A_118 = arith.constant 0 : i32
      %dma_start3A_119 = arith.constant 0 : i32
      %dma_start3A_120 = tpu.memref_slice %arg3[%dma_start3A_118, %dma_start3A_119] : memref<1000000x32xf32, #tpu.memory_space<hbm>> -> memref<1000000x32xf32, #tpu.memory_space<hbm>>
      tpu.enqueue_indirect_dma source(%dma_start3A_120 : memref<1000000x32xf32, #tpu.memory_space<hbm>>) target(%dma_start3A_114 : memref<80x32xf32, #tpu.memory_space<vmem>>) offsets(%dma_start3A_117 : memref<80xi32, #tpu.memory_space<vmem>>) semaphore(%arg8 : memref<!tpu.dma_semaphore, #tpu.memory_space<semaphore_mem>>)
      %dma_start3A_121 = arith.constant 2 : i32
      %dma_start3A_122 = arith.constant 880 : i32
      %dma_start3A_123 = arith.constant 0 : i32
      %dma_start3A_124 = tpu.memref_slice %arg6[%dma_start3A_122, %dma_start3A_123] : memref<1600x32xf32, #tpu.memory_space<vmem>> -> memref<80x32xf32, #tpu.memory_space<vmem>>
      %dma_start3A_125 = arith.constant 80 : i32
      %dma_start3A_126 = tpu.memref_slice %arg5[%dma_start3A_121, %dma_start3A_125] : memref<4x400xi32, #tpu.memory_space<vmem>> -> memref<1x80xi32, #tpu.memory_space<vmem>>
      %dma_start3A_127 = tpu.memref_squeeze %dma_start3A_126 : memref<1x80xi32, #tpu.memory_space<vmem>> -> memref<80xi32, #tpu.memory_space<vmem>>
      %dma_start3A_128 = arith.constant 0 : i32
      %dma_start3A_129 = arith.constant 0 : i32
      %dma_start3A_130 = tpu.memref_slice %arg3[%dma_start3A_128, %dma_start3A_129] : memref<1000000x32xf32, #tpu.memory_space<hbm>> -> memref<1000000x32xf32, #tpu.memory_space<hbm>>
      tpu.enqueue_indirect_dma source(%dma_start3A_130 : memref<1000000x32xf32, #tpu.memory_space<hbm>>) target(%dma_start3A_124 : memref<80x32xf32, #tpu.memory_space<vmem>>) offsets(%dma_start3A_127 : memref<80xi32, #tpu.memory_space<vmem>>) semaphore(%arg8 : memref<!tpu.dma_semaphore, #tpu.memory_space<semaphore_mem>>)
      %dma_start3A_131 = arith.constant 2 : i32
      %dma_start3A_132 = arith.constant 960 : i32
      %dma_start3A_133 = arith.constant 0 : i32
      %dma_start3A_134 = tpu.memref_slice %arg6[%dma_start3A_132, %dma_start3A_133] : memref<1600x32xf32, #tpu.memory_space<vmem>> -> memref<80x32xf32, #tpu.memory_space<vmem>>
      %dma_start3A_135 = arith.constant 160 : i32
      %dma_start3A_136 = tpu.memref_slice %arg5[%dma_start3A_131, %dma_start3A_135] : memref<4x400xi32, #tpu.memory_space<vmem>> -> memref<1x80xi32, #tpu.memory_space<vmem>>
      %dma_start3A_137 = tpu.memref_squeeze %dma_start3A_136 : memref<1x80xi32, #tpu.memory_space<vmem>> -> memref<80xi32, #tpu.memory_space<vmem>>
      %dma_start3A_138 = arith.constant 0 : i32
      %dma_start3A_139 = arith.constant 0 : i32
      %dma_start3A_140 = tpu.memref_slice %arg3[%dma_start3A_138, %dma_start3A_139] : memref<1000000x32xf32, #tpu.memory_space<hbm>> -> memref<1000000x32xf32, #tpu.memory_space<hbm>>
      tpu.enqueue_indirect_dma source(%dma_start3A_140 : memref<1000000x32xf32, #tpu.memory_space<hbm>>) target(%dma_start3A_134 : memref<80x32xf32, #tpu.memory_space<vmem>>) offsets(%dma_start3A_137 : memref<80xi32, #tpu.memory_space<vmem>>) semaphore(%arg8 : memref<!tpu.dma_semaphore, #tpu.memory_space<semaphore_mem>>)
      %dma_start3A_141 = arith.constant 2 : i32
      %dma_start3A_142 = arith.constant 1040 : i32
      %dma_start3A_143 = arith.constant 0 : i32
      %dma_start3A_144 = tpu.memref_slice %arg6[%dma_start3A_142, %dma_start3A_143] : memref<1600x32xf32, #tpu.memory_space<vmem>> -> memref<80x32xf32, #tpu.memory_space<vmem>>
      %dma_start3A_145 = arith.constant 240 : i32
      %dma_start3A_146 = tpu.memref_slice %arg5[%dma_start3A_141, %dma_start3A_145] : memref<4x400xi32, #tpu.memory_space<vmem>> -> memref<1x80xi32, #tpu.memory_space<vmem>>
      %dma_start3A_147 = tpu.memref_squeeze %dma_start3A_146 : memref<1x80xi32, #tpu.memory_space<vmem>> -> memref<80xi32, #tpu.memory_space<vmem>>
      %dma_start3A_148 = arith.constant 0 : i32
      %dma_start3A_149 = arith.constant 0 : i32
      %dma_start3A_150 = tpu.memref_slice %arg3[%dma_start3A_148, %dma_start3A_149] : memref<1000000x32xf32, #tpu.memory_space<hbm>> -> memref<1000000x32xf32, #tpu.memory_space<hbm>>
      tpu.enqueue_indirect_dma source(%dma_start3A_150 : memref<1000000x32xf32, #tpu.memory_space<hbm>>) target(%dma_start3A_144 : memref<80x32xf32, #tpu.memory_space<vmem>>) offsets(%dma_start3A_147 : memref<80xi32, #tpu.memory_space<vmem>>) semaphore(%arg8 : memref<!tpu.dma_semaphore, #tpu.memory_space<semaphore_mem>>)
      %dma_start3A_151 = arith.constant 2 : i32
      %dma_start3A_152 = arith.constant 1120 : i32
      %dma_start3A_153 = arith.constant 0 : i32
      %dma_start3A_154 = tpu.memref_slice %arg6[%dma_start3A_152, %dma_start3A_153] : memref<1600x32xf32, #tpu.memory_space<vmem>> -> memref<80x32xf32, #tpu.memory_space<vmem>>
      %dma_start3A_155 = arith.constant 320 : i32
      %dma_start3A_156 = tpu.memref_slice %arg5[%dma_start3A_151, %dma_start3A_155] : memref<4x400xi32, #tpu.memory_space<vmem>> -> memref<1x80xi32, #tpu.memory_space<vmem>>
      %dma_start3A_157 = tpu.memref_squeeze %dma_start3A_156 : memref<1x80xi32, #tpu.memory_space<vmem>> -> memref<80xi32, #tpu.memory_space<vmem>>
      %dma_start3A_158 = arith.constant 0 : i32
      %dma_start3A_159 = arith.constant 0 : i32
      %dma_start3A_160 = tpu.memref_slice %arg3[%dma_start3A_158, %dma_start3A_159] : memref<1000000x32xf32, #tpu.memory_space<hbm>> -> memref<1000000x32xf32, #tpu.memory_space<hbm>>
      tpu.enqueue_indirect_dma source(%dma_start3A_160 : memref<1000000x32xf32, #tpu.memory_space<hbm>>) target(%dma_start3A_154 : memref<80x32xf32, #tpu.memory_space<vmem>>) offsets(%dma_start3A_157 : memref<80xi32, #tpu.memory_space<vmem>>) semaphore(%arg8 : memref<!tpu.dma_semaphore, #tpu.memory_space<semaphore_mem>>)
      %dma_start3A_161 = arith.constant 3 : i32
      %dma_start3A_162 = arith.constant 1200 : i32
      %dma_start3A_163 = arith.constant 0 : i32
      %dma_start3A_164 = tpu.memref_slice %arg6[%dma_start3A_162, %dma_start3A_163] : memref<1600x32xf32, #tpu.memory_space<vmem>> -> memref<80x32xf32, #tpu.memory_space<vmem>>
      %dma_start3A_165 = arith.constant 0 : i32
      %dma_start3A_166 = tpu.memref_slice %arg5[%dma_start3A_161, %dma_start3A_165] : memref<4x400xi32, #tpu.memory_space<vmem>> -> memref<1x80xi32, #tpu.memory_space<vmem>>
      %dma_start3A_167 = tpu.memref_squeeze %dma_start3A_166 : memref<1x80xi32, #tpu.memory_space<vmem>> -> memref<80xi32, #tpu.memory_space<vmem>>
      %dma_start3A_168 = arith.constant 0 : i32
      %dma_start3A_169 = arith.constant 0 : i32
      %dma_start3A_170 = tpu.memref_slice %arg3[%dma_start3A_168, %dma_start3A_169] : memref<1000000x32xf32, #tpu.memory_space<hbm>> -> memref<1000000x32xf32, #tpu.memory_space<hbm>>
      tpu.enqueue_indirect_dma source(%dma_start3A_170 : memref<1000000x32xf32, #tpu.memory_space<hbm>>) target(%dma_start3A_164 : memref<80x32xf32, #tpu.memory_space<vmem>>) offsets(%dma_start3A_167 : memref<80xi32, #tpu.memory_space<vmem>>) semaphore(%arg8 : memref<!tpu.dma_semaphore, #tpu.memory_space<semaphore_mem>>)
      %dma_start3A_171 = arith.constant 3 : i32
      %dma_start3A_172 = arith.constant 1280 : i32
      %dma_start3A_173 = arith.constant 0 : i32
      %dma_start3A_174 = tpu.memref_slice %arg6[%dma_start3A_172, %dma_start3A_173] : memref<1600x32xf32, #tpu.memory_space<vmem>> -> memref<80x32xf32, #tpu.memory_space<vmem>>
      %dma_start3A_175 = arith.constant 80 : i32
      %dma_start3A_176 = tpu.memref_slice %arg5[%dma_start3A_171, %dma_start3A_175] : memref<4x400xi32, #tpu.memory_space<vmem>> -> memref<1x80xi32, #tpu.memory_space<vmem>>
      %dma_start3A_177 = tpu.memref_squeeze %dma_start3A_176 : memref<1x80xi32, #tpu.memory_space<vmem>> -> memref<80xi32, #tpu.memory_space<vmem>>
      %dma_start3A_178 = arith.constant 0 : i32
      %dma_start3A_179 = arith.constant 0 : i32
      %dma_start3A_180 = tpu.memref_slice %arg3[%dma_start3A_178, %dma_start3A_179] : memref<1000000x32xf32, #tpu.memory_space<hbm>> -> memref<1000000x32xf32, #tpu.memory_space<hbm>>
      tpu.enqueue_indirect_dma source(%dma_start3A_180 : memref<1000000x32xf32, #tpu.memory_space<hbm>>) target(%dma_start3A_174 : memref<80x32xf32, #tpu.memory_space<vmem>>) offsets(%dma_start3A_177 : memref<80xi32, #tpu.memory_space<vmem>>) semaphore(%arg8 : memref<!tpu.dma_semaphore, #tpu.memory_space<semaphore_mem>>)
      %dma_start3A_181 = arith.constant 3 : i32
      %dma_start3A_182 = arith.constant 1360 : i32
      %dma_start3A_183 = arith.constant 0 : i32
      %dma_start3A_184 = tpu.memref_slice %arg6[%dma_start3A_182, %dma_start3A_183] : memref<1600x32xf32, #tpu.memory_space<vmem>> -> memref<80x32xf32, #tpu.memory_space<vmem>>
      %dma_start3A_185 = arith.constant 160 : i32
      %dma_start3A_186 = tpu.memref_slice %arg5[%dma_start3A_181, %dma_start3A_185] : memref<4x400xi32, #tpu.memory_space<vmem>> -> memref<1x80xi32, #tpu.memory_space<vmem>>
      %dma_start3A_187 = tpu.memref_squeeze %dma_start3A_186 : memref<1x80xi32, #tpu.memory_space<vmem>> -> memref<80xi32, #tpu.memory_space<vmem>>
      %dma_start3A_188 = arith.constant 0 : i32
      %dma_start3A_189 = arith.constant 0 : i32
      %dma_start3A_190 = tpu.memref_slice %arg3[%dma_start3A_188, %dma_start3A_189] : memref<1000000x32xf32, #tpu.memory_space<hbm>> -> memref<1000000x32xf32, #tpu.memory_space<hbm>>
      tpu.enqueue_indirect_dma source(%dma_start3A_190 : memref<1000000x32xf32, #tpu.memory_space<hbm>>) target(%dma_start3A_184 : memref<80x32xf32, #tpu.memory_space<vmem>>) offsets(%dma_start3A_187 : memref<80xi32, #tpu.memory_space<vmem>>) semaphore(%arg8 : memref<!tpu.dma_semaphore, #tpu.memory_space<semaphore_mem>>)
      %dma_start3A_191 = arith.constant 3 : i32
      %dma_start3A_192 = arith.constant 1440 : i32
      %dma_start3A_193 = arith.constant 0 : i32
      %dma_start3A_194 = tpu.memref_slice %arg6[%dma_start3A_192, %dma_start3A_193] : memref<1600x32xf32, #tpu.memory_space<vmem>> -> memref<80x32xf32, #tpu.memory_space<vmem>>
      %dma_start3A_195 = arith.constant 240 : i32
      %dma_start3A_196 = tpu.memref_slice %arg5[%dma_start3A_191, %dma_start3A_195] : memref<4x400xi32, #tpu.memory_space<vmem>> -> memref<1x80xi32, #tpu.memory_space<vmem>>
      %dma_start3A_197 = tpu.memref_squeeze %dma_start3A_196 : memref<1x80xi32, #tpu.memory_space<vmem>> -> memref<80xi32, #tpu.memory_space<vmem>>
      %dma_start3A_198 = arith.constant 0 : i32
      %dma_start3A_199 = arith.constant 0 : i32
      %dma_start3A_200 = tpu.memref_slice %arg3[%dma_start3A_198, %dma_start3A_199] : memref<1000000x32xf32, #tpu.memory_space<hbm>> -> memref<1000000x32xf32, #tpu.memory_space<hbm>>
      tpu.enqueue_indirect_dma source(%dma_start3A_200 : memref<1000000x32xf32, #tpu.memory_space<hbm>>) target(%dma_start3A_194 : memref<80x32xf32, #tpu.memory_space<vmem>>) offsets(%dma_start3A_197 : memref<80xi32, #tpu.memory_space<vmem>>) semaphore(%arg8 : memref<!tpu.dma_semaphore, #tpu.memory_space<semaphore_mem>>)
      %dma_start3A_201 = arith.constant 3 : i32
      %dma_start3A_202 = arith.constant 1520 : i32
      %dma_start3A_203 = arith.constant 0 : i32
      %dma_start3A_204 = tpu.memref_slice %arg6[%dma_start3A_202, %dma_start3A_203] : memref<1600x32xf32, #tpu.memory_space<vmem>> -> memref<80x32xf32, #tpu.memory_space<vmem>>
      %dma_start3A_205 = arith.constant 320 : i32
      %dma_start3A_206 = tpu.memref_slice %arg5[%dma_start3A_201, %dma_start3A_205] : memref<4x400xi32, #tpu.memory_space<vmem>> -> memref<1x80xi32, #tpu.memory_space<vmem>>
      %dma_start3A_207 = tpu.memref_squeeze %dma_start3A_206 : memref<1x80xi32, #tpu.memory_space<vmem>> -> memref<80xi32, #tpu.memory_space<vmem>>
      %dma_start3A_208 = arith.constant 0 : i32
      %dma_start3A_209 = arith.constant 0 : i32
      %dma_start3A_210 = tpu.memref_slice %arg3[%dma_start3A_208, %dma_start3A_209] : memref<1000000x32xf32, #tpu.memory_space<hbm>> -> memref<1000000x32xf32, #tpu.memory_space<hbm>>
      tpu.enqueue_indirect_dma source(%dma_start3A_210 : memref<1000000x32xf32, #tpu.memory_space<hbm>>) target(%dma_start3A_204 : memref<80x32xf32, #tpu.memory_space<vmem>>) offsets(%dma_start3A_207 : memref<80xi32, #tpu.memory_space<vmem>>) semaphore(%arg8 : memref<!tpu.dma_semaphore, #tpu.memory_space<semaphore_mem>>)
      %dma_wait3A = arith.constant 0 : i32
      %dma_wait3A_211 = arith.constant 0 : i32
      %dma_wait3A_212 = arith.constant 0 : i32
      %dma_wait3A_213 = tpu.memref_slice %arg6[%dma_wait3A_211, %dma_wait3A_212] : memref<1600x32xf32, #tpu.memory_space<vmem>> -> memref<80x32xf32, #tpu.memory_space<vmem>>
      %dma_wait3A_214 = arith.constant 0 : i32
      %dma_wait3A_215 = tpu.memref_slice %arg5[%dma_wait3A, %dma_wait3A_214] : memref<4x400xi32, #tpu.memory_space<vmem>> -> memref<1x80xi32, #tpu.memory_space<vmem>>
      %dma_wait3A_216 = tpu.memref_squeeze %dma_wait3A_215 : memref<1x80xi32, #tpu.memory_space<vmem>> -> memref<80xi32, #tpu.memory_space<vmem>>
      %dma_wait3A_217 = arith.constant 0 : i32
      %dma_wait3A_218 = arith.constant 0 : i32
      %dma_wait3A_219 = tpu.memref_slice %arg3[%dma_wait3A_217, %dma_wait3A_218] : memref<1000000x32xf32, #tpu.memory_space<hbm>> -> memref<1000000x32xf32, #tpu.memory_space<hbm>>
      tpu.wait_indirect_dma semaphore(%arg8 : memref<!tpu.dma_semaphore, #tpu.memory_space<semaphore_mem>>) src(%dma_wait3A_219 : memref<1000000x32xf32, #tpu.memory_space<hbm>>) dst(%dma_wait3A_213 : memref<80x32xf32, #tpu.memory_space<vmem>>)
      %dma_wait3A_220 = arith.constant 0 : i32
      %dma_wait3A_221 = arith.constant 80 : i32
      %dma_wait3A_222 = arith.constant 0 : i32
      %dma_wait3A_223 = tpu.memref_slice %arg6[%dma_wait3A_221, %dma_wait3A_222] : memref<1600x32xf32, #tpu.memory_space<vmem>> -> memref<80x32xf32, #tpu.memory_space<vmem>>
      %dma_wait3A_224 = arith.constant 80 : i32
      %dma_wait3A_225 = tpu.memref_slice %arg5[%dma_wait3A_220, %dma_wait3A_224] : memref<4x400xi32, #tpu.memory_space<vmem>> -> memref<1x80xi32, #tpu.memory_space<vmem>>
      %dma_wait3A_226 = tpu.memref_squeeze %dma_wait3A_225 : memref<1x80xi32, #tpu.memory_space<vmem>> -> memref<80xi32, #tpu.memory_space<vmem>>
      %dma_wait3A_227 = arith.constant 0 : i32
      %dma_wait3A_228 = arith.constant 0 : i32
      %dma_wait3A_229 = tpu.memref_slice %arg3[%dma_wait3A_227, %dma_wait3A_228] : memref<1000000x32xf32, #tpu.memory_space<hbm>> -> memref<1000000x32xf32, #tpu.memory_space<hbm>>
      tpu.wait_indirect_dma semaphore(%arg8 : memref<!tpu.dma_semaphore, #tpu.memory_space<semaphore_mem>>) src(%dma_wait3A_229 : memref<1000000x32xf32, #tpu.memory_space<hbm>>) dst(%dma_wait3A_223 : memref<80x32xf32, #tpu.memory_space<vmem>>)
      %dma_wait3A_230 = arith.constant 0 : i32
      %dma_wait3A_231 = arith.constant 160 : i32
      %dma_wait3A_232 = arith.constant 0 : i32
      %dma_wait3A_233 = tpu.memref_slice %arg6[%dma_wait3A_231, %dma_wait3A_232] : memref<1600x32xf32, #tpu.memory_space<vmem>> -> memref<80x32xf32, #tpu.memory_space<vmem>>
      %dma_wait3A_234 = arith.constant 160 : i32
      %dma_wait3A_235 = tpu.memref_slice %arg5[%dma_wait3A_230, %dma_wait3A_234] : memref<4x400xi32, #tpu.memory_space<vmem>> -> memref<1x80xi32, #tpu.memory_space<vmem>>
      %dma_wait3A_236 = tpu.memref_squeeze %dma_wait3A_235 : memref<1x80xi32, #tpu.memory_space<vmem>> -> memref<80xi32, #tpu.memory_space<vmem>>
      %dma_wait3A_237 = arith.constant 0 : i32
      %dma_wait3A_238 = arith.constant 0 : i32
      %dma_wait3A_239 = tpu.memref_slice %arg3[%dma_wait3A_237, %dma_wait3A_238] : memref<1000000x32xf32, #tpu.memory_space<hbm>> -> memref<1000000x32xf32, #tpu.memory_space<hbm>>
      tpu.wait_indirect_dma semaphore(%arg8 : memref<!tpu.dma_semaphore, #tpu.memory_space<semaphore_mem>>) src(%dma_wait3A_239 : memref<1000000x32xf32, #tpu.memory_space<hbm>>) dst(%dma_wait3A_233 : memref<80x32xf32, #tpu.memory_space<vmem>>)
      %dma_wait3A_240 = arith.constant 0 : i32
      %dma_wait3A_241 = arith.constant 240 : i32
      %dma_wait3A_242 = arith.constant 0 : i32
      %dma_wait3A_243 = tpu.memref_slice %arg6[%dma_wait3A_241, %dma_wait3A_242] : memref<1600x32xf32, #tpu.memory_space<vmem>> -> memref<80x32xf32, #tpu.memory_space<vmem>>
      %dma_wait3A_244 = arith.constant 240 : i32
      %dma_wait3A_245 = tpu.memref_slice %arg5[%dma_wait3A_240, %dma_wait3A_244] : memref<4x400xi32, #tpu.memory_space<vmem>> -> memref<1x80xi32, #tpu.memory_space<vmem>>
      %dma_wait3A_246 = tpu.memref_squeeze %dma_wait3A_245 : memref<1x80xi32, #tpu.memory_space<vmem>> -> memref<80xi32, #tpu.memory_space<vmem>>
      %dma_wait3A_247 = arith.constant 0 : i32
      %dma_wait3A_248 = arith.constant 0 : i32
      %dma_wait3A_249 = tpu.memref_slice %arg3[%dma_wait3A_247, %dma_wait3A_248] : memref<1000000x32xf32, #tpu.memory_space<hbm>> -> memref<1000000x32xf32, #tpu.memory_space<hbm>>
      tpu.wait_indirect_dma semaphore(%arg8 : memref<!tpu.dma_semaphore, #tpu.memory_space<semaphore_mem>>) src(%dma_wait3A_249 : memref<1000000x32xf32, #tpu.memory_space<hbm>>) dst(%dma_wait3A_243 : memref<80x32xf32, #tpu.memory_space<vmem>>)
      %dma_wait3A_250 = arith.constant 0 : i32
      %dma_wait3A_251 = arith.constant 320 : i32
      %dma_wait3A_252 = arith.constant 0 : i32
      %dma_wait3A_253 = tpu.memref_slice %arg6[%dma_wait3A_251, %dma_wait3A_252] : memref<1600x32xf32, #tpu.memory_space<vmem>> -> memref<80x32xf32, #tpu.memory_space<vmem>>
      %dma_wait3A_254 = arith.constant 320 : i32
      %dma_wait3A_255 = tpu.memref_slice %arg5[%dma_wait3A_250, %dma_wait3A_254] : memref<4x400xi32, #tpu.memory_space<vmem>> -> memref<1x80xi32, #tpu.memory_space<vmem>>
      %dma_wait3A_256 = tpu.memref_squeeze %dma_wait3A_255 : memref<1x80xi32, #tpu.memory_space<vmem>> -> memref<80xi32, #tpu.memory_space<vmem>>
      %dma_wait3A_257 = arith.constant 0 : i32
      %dma_wait3A_258 = arith.constant 0 : i32
      %dma_wait3A_259 = tpu.memref_slice %arg3[%dma_wait3A_257, %dma_wait3A_258] : memref<1000000x32xf32, #tpu.memory_space<hbm>> -> memref<1000000x32xf32, #tpu.memory_space<hbm>>
      tpu.wait_indirect_dma semaphore(%arg8 : memref<!tpu.dma_semaphore, #tpu.memory_space<semaphore_mem>>) src(%dma_wait3A_259 : memref<1000000x32xf32, #tpu.memory_space<hbm>>) dst(%dma_wait3A_253 : memref<80x32xf32, #tpu.memory_space<vmem>>)
      %dma_wait3A_260 = arith.constant 1 : i32
      %dma_wait3A_261 = arith.constant 400 : i32
      %dma_wait3A_262 = arith.constant 0 : i32
      %dma_wait3A_263 = tpu.memref_slice %arg6[%dma_wait3A_261, %dma_wait3A_262] : memref<1600x32xf32, #tpu.memory_space<vmem>> -> memref<80x32xf32, #tpu.memory_space<vmem>>
      %dma_wait3A_264 = arith.constant 0 : i32
      %dma_wait3A_265 = tpu.memref_slice %arg5[%dma_wait3A_260, %dma_wait3A_264] : memref<4x400xi32, #tpu.memory_space<vmem>> -> memref<1x80xi32, #tpu.memory_space<vmem>>
      %dma_wait3A_266 = tpu.memref_squeeze %dma_wait3A_265 : memref<1x80xi32, #tpu.memory_space<vmem>> -> memref<80xi32, #tpu.memory_space<vmem>>
      %dma_wait3A_267 = arith.constant 0 : i32
      %dma_wait3A_268 = arith.constant 0 : i32
      %dma_wait3A_269 = tpu.memref_slice %arg3[%dma_wait3A_267, %dma_wait3A_268] : memref<1000000x32xf32, #tpu.memory_space<hbm>> -> memref<1000000x32xf32, #tpu.memory_space<hbm>>
      tpu.wait_indirect_dma semaphore(%arg8 : memref<!tpu.dma_semaphore, #tpu.memory_space<semaphore_mem>>) src(%dma_wait3A_269 : memref<1000000x32xf32, #tpu.memory_space<hbm>>) dst(%dma_wait3A_263 : memref<80x32xf32, #tpu.memory_space<vmem>>)
      %dma_wait3A_270 = arith.constant 1 : i32
      %dma_wait3A_271 = arith.constant 480 : i32
      %dma_wait3A_272 = arith.constant 0 : i32
      %dma_wait3A_273 = tpu.memref_slice %arg6[%dma_wait3A_271, %dma_wait3A_272] : memref<1600x32xf32, #tpu.memory_space<vmem>> -> memref<80x32xf32, #tpu.memory_space<vmem>>
      %dma_wait3A_274 = arith.constant 80 : i32
      %dma_wait3A_275 = tpu.memref_slice %arg5[%dma_wait3A_270, %dma_wait3A_274] : memref<4x400xi32, #tpu.memory_space<vmem>> -> memref<1x80xi32, #tpu.memory_space<vmem>>
      %dma_wait3A_276 = tpu.memref_squeeze %dma_wait3A_275 : memref<1x80xi32, #tpu.memory_space<vmem>> -> memref<80xi32, #tpu.memory_space<vmem>>
      %dma_wait3A_277 = arith.constant 0 : i32
      %dma_wait3A_278 = arith.constant 0 : i32
      %dma_wait3A_279 = tpu.memref_slice %arg3[%dma_wait3A_277, %dma_wait3A_278] : memref<1000000x32xf32, #tpu.memory_space<hbm>> -> memref<1000000x32xf32, #tpu.memory_space<hbm>>
      tpu.wait_indirect_dma semaphore(%arg8 : memref<!tpu.dma_semaphore, #tpu.memory_space<semaphore_mem>>) src(%dma_wait3A_279 : memref<1000000x32xf32, #tpu.memory_space<hbm>>) dst(%dma_wait3A_273 : memref<80x32xf32, #tpu.memory_space<vmem>>)
      %dma_wait3A_280 = arith.constant 1 : i32
      %dma_wait3A_281 = arith.constant 560 : i32
      %dma_wait3A_282 = arith.constant 0 : i32
      %dma_wait3A_283 = tpu.memref_slice %arg6[%dma_wait3A_281, %dma_wait3A_282] : memref<1600x32xf32, #tpu.memory_space<vmem>> -> memref<80x32xf32, #tpu.memory_space<vmem>>
      %dma_wait3A_284 = arith.constant 160 : i32
      %dma_wait3A_285 = tpu.memref_slice %arg5[%dma_wait3A_280, %dma_wait3A_284] : memref<4x400xi32, #tpu.memory_space<vmem>> -> memref<1x80xi32, #tpu.memory_space<vmem>>
      %dma_wait3A_286 = tpu.memref_squeeze %dma_wait3A_285 : memref<1x80xi32, #tpu.memory_space<vmem>> -> memref<80xi32, #tpu.memory_space<vmem>>
      %dma_wait3A_287 = arith.constant 0 : i32
      %dma_wait3A_288 = arith.constant 0 : i32
      %dma_wait3A_289 = tpu.memref_slice %arg3[%dma_wait3A_287, %dma_wait3A_288] : memref<1000000x32xf32, #tpu.memory_space<hbm>> -> memref<1000000x32xf32, #tpu.memory_space<hbm>>
      tpu.wait_indirect_dma semaphore(%arg8 : memref<!tpu.dma_semaphore, #tpu.memory_space<semaphore_mem>>) src(%dma_wait3A_289 : memref<1000000x32xf32, #tpu.memory_space<hbm>>) dst(%dma_wait3A_283 : memref<80x32xf32, #tpu.memory_space<vmem>>)
      %dma_wait3A_290 = arith.constant 1 : i32
      %dma_wait3A_291 = arith.constant 640 : i32
      %dma_wait3A_292 = arith.constant 0 : i32
      %dma_wait3A_293 = tpu.memref_slice %arg6[%dma_wait3A_291, %dma_wait3A_292] : memref<1600x32xf32, #tpu.memory_space<vmem>> -> memref<80x32xf32, #tpu.memory_space<vmem>>
      %dma_wait3A_294 = arith.constant 240 : i32
      %dma_wait3A_295 = tpu.memref_slice %arg5[%dma_wait3A_290, %dma_wait3A_294] : memref<4x400xi32, #tpu.memory_space<vmem>> -> memref<1x80xi32, #tpu.memory_space<vmem>>
      %dma_wait3A_296 = tpu.memref_squeeze %dma_wait3A_295 : memref<1x80xi32, #tpu.memory_space<vmem>> -> memref<80xi32, #tpu.memory_space<vmem>>
      %dma_wait3A_297 = arith.constant 0 : i32
      %dma_wait3A_298 = arith.constant 0 : i32
      %dma_wait3A_299 = tpu.memref_slice %arg3[%dma_wait3A_297, %dma_wait3A_298] : memref<1000000x32xf32, #tpu.memory_space<hbm>> -> memref<1000000x32xf32, #tpu.memory_space<hbm>>
      tpu.wait_indirect_dma semaphore(%arg8 : memref<!tpu.dma_semaphore, #tpu.memory_space<semaphore_mem>>) src(%dma_wait3A_299 : memref<1000000x32xf32, #tpu.memory_space<hbm>>) dst(%dma_wait3A_293 : memref<80x32xf32, #tpu.memory_space<vmem>>)
      %dma_wait3A_300 = arith.constant 1 : i32
      %dma_wait3A_301 = arith.constant 720 : i32
      %dma_wait3A_302 = arith.constant 0 : i32
      %dma_wait3A_303 = tpu.memref_slice %arg6[%dma_wait3A_301, %dma_wait3A_302] : memref<1600x32xf32, #tpu.memory_space<vmem>> -> memref<80x32xf32, #tpu.memory_space<vmem>>
      %dma_wait3A_304 = arith.constant 320 : i32
      %dma_wait3A_305 = tpu.memref_slice %arg5[%dma_wait3A_300, %dma_wait3A_304] : memref<4x400xi32, #tpu.memory_space<vmem>> -> memref<1x80xi32, #tpu.memory_space<vmem>>
      %dma_wait3A_306 = tpu.memref_squeeze %dma_wait3A_305 : memref<1x80xi32, #tpu.memory_space<vmem>> -> memref<80xi32, #tpu.memory_space<vmem>>
      %dma_wait3A_307 = arith.constant 0 : i32
      %dma_wait3A_308 = arith.constant 0 : i32
      %dma_wait3A_309 = tpu.memref_slice %arg3[%dma_wait3A_307, %dma_wait3A_308] : memref<1000000x32xf32, #tpu.memory_space<hbm>> -> memref<1000000x32xf32, #tpu.memory_space<hbm>>
      tpu.wait_indirect_dma semaphore(%arg8 : memref<!tpu.dma_semaphore, #tpu.memory_space<semaphore_mem>>) src(%dma_wait3A_309 : memref<1000000x32xf32, #tpu.memory_space<hbm>>) dst(%dma_wait3A_303 : memref<80x32xf32, #tpu.memory_space<vmem>>)
      %dma_wait3A_310 = arith.constant 2 : i32
      %dma_wait3A_311 = arith.constant 800 : i32
      %dma_wait3A_312 = arith.constant 0 : i32
      %dma_wait3A_313 = tpu.memref_slice %arg6[%dma_wait3A_311, %dma_wait3A_312] : memref<1600x32xf32, #tpu.memory_space<vmem>> -> memref<80x32xf32, #tpu.memory_space<vmem>>
      %dma_wait3A_314 = arith.constant 0 : i32
      %dma_wait3A_315 = tpu.memref_slice %arg5[%dma_wait3A_310, %dma_wait3A_314] : memref<4x400xi32, #tpu.memory_space<vmem>> -> memref<1x80xi32, #tpu.memory_space<vmem>>
      %dma_wait3A_316 = tpu.memref_squeeze %dma_wait3A_315 : memref<1x80xi32, #tpu.memory_space<vmem>> -> memref<80xi32, #tpu.memory_space<vmem>>
      %dma_wait3A_317 = arith.constant 0 : i32
      %dma_wait3A_318 = arith.constant 0 : i32
      %dma_wait3A_319 = tpu.memref_slice %arg3[%dma_wait3A_317, %dma_wait3A_318] : memref<1000000x32xf32, #tpu.memory_space<hbm>> -> memref<1000000x32xf32, #tpu.memory_space<hbm>>
      tpu.wait_indirect_dma semaphore(%arg8 : memref<!tpu.dma_semaphore, #tpu.memory_space<semaphore_mem>>) src(%dma_wait3A_319 : memref<1000000x32xf32, #tpu.memory_space<hbm>>) dst(%dma_wait3A_313 : memref<80x32xf32, #tpu.memory_space<vmem>>)
      %dma_wait3A_320 = arith.constant 2 : i32
      %dma_wait3A_321 = arith.constant 880 : i32
      %dma_wait3A_322 = arith.constant 0 : i32
      %dma_wait3A_323 = tpu.memref_slice %arg6[%dma_wait3A_321, %dma_wait3A_322] : memref<1600x32xf32, #tpu.memory_space<vmem>> -> memref<80x32xf32, #tpu.memory_space<vmem>>
      %dma_wait3A_324 = arith.constant 80 : i32
      %dma_wait3A_325 = tpu.memref_slice %arg5[%dma_wait3A_320, %dma_wait3A_324] : memref<4x400xi32, #tpu.memory_space<vmem>> -> memref<1x80xi32, #tpu.memory_space<vmem>>
      %dma_wait3A_326 = tpu.memref_squeeze %dma_wait3A_325 : memref<1x80xi32, #tpu.memory_space<vmem>> -> memref<80xi32, #tpu.memory_space<vmem>>
      %dma_wait3A_327 = arith.constant 0 : i32
      %dma_wait3A_328 = arith.constant 0 : i32
      %dma_wait3A_329 = tpu.memref_slice %arg3[%dma_wait3A_327, %dma_wait3A_328] : memref<1000000x32xf32, #tpu.memory_space<hbm>> -> memref<1000000x32xf32, #tpu.memory_space<hbm>>
      tpu.wait_indirect_dma semaphore(%arg8 : memref<!tpu.dma_semaphore, #tpu.memory_space<semaphore_mem>>) src(%dma_wait3A_329 : memref<1000000x32xf32, #tpu.memory_space<hbm>>) dst(%dma_wait3A_323 : memref<80x32xf32, #tpu.memory_space<vmem>>)
      %dma_wait3A_330 = arith.constant 2 : i32
      %dma_wait3A_331 = arith.constant 960 : i32
      %dma_wait3A_332 = arith.constant 0 : i32
      %dma_wait3A_333 = tpu.memref_slice %arg6[%dma_wait3A_331, %dma_wait3A_332] : memref<1600x32xf32, #tpu.memory_space<vmem>> -> memref<80x32xf32, #tpu.memory_space<vmem>>
      %dma_wait3A_334 = arith.constant 160 : i32
      %dma_wait3A_335 = tpu.memref_slice %arg5[%dma_wait3A_330, %dma_wait3A_334] : memref<4x400xi32, #tpu.memory_space<vmem>> -> memref<1x80xi32, #tpu.memory_space<vmem>>
      %dma_wait3A_336 = tpu.memref_squeeze %dma_wait3A_335 : memref<1x80xi32, #tpu.memory_space<vmem>> -> memref<80xi32, #tpu.memory_space<vmem>>
      %dma_wait3A_337 = arith.constant 0 : i32
      %dma_wait3A_338 = arith.constant 0 : i32
      %dma_wait3A_339 = tpu.memref_slice %arg3[%dma_wait3A_337, %dma_wait3A_338] : memref<1000000x32xf32, #tpu.memory_space<hbm>> -> memref<1000000x32xf32, #tpu.memory_space<hbm>>
      tpu.wait_indirect_dma semaphore(%arg8 : memref<!tpu.dma_semaphore, #tpu.memory_space<semaphore_mem>>) src(%dma_wait3A_339 : memref<1000000x32xf32, #tpu.memory_space<hbm>>) dst(%dma_wait3A_333 : memref<80x32xf32, #tpu.memory_space<vmem>>)
      %dma_wait3A_340 = arith.constant 2 : i32
      %dma_wait3A_341 = arith.constant 1040 : i32
      %dma_wait3A_342 = arith.constant 0 : i32
      %dma_wait3A_343 = tpu.memref_slice %arg6[%dma_wait3A_341, %dma_wait3A_342] : memref<1600x32xf32, #tpu.memory_space<vmem>> -> memref<80x32xf32, #tpu.memory_space<vmem>>
      %dma_wait3A_344 = arith.constant 240 : i32
      %dma_wait3A_345 = tpu.memref_slice %arg5[%dma_wait3A_340, %dma_wait3A_344] : memref<4x400xi32, #tpu.memory_space<vmem>> -> memref<1x80xi32, #tpu.memory_space<vmem>>
      %dma_wait3A_346 = tpu.memref_squeeze %dma_wait3A_345 : memref<1x80xi32, #tpu.memory_space<vmem>> -> memref<80xi32, #tpu.memory_space<vmem>>
      %dma_wait3A_347 = arith.constant 0 : i32
      %dma_wait3A_348 = arith.constant 0 : i32
      %dma_wait3A_349 = tpu.memref_slice %arg3[%dma_wait3A_347, %dma_wait3A_348] : memref<1000000x32xf32, #tpu.memory_space<hbm>> -> memref<1000000x32xf32, #tpu.memory_space<hbm>>
      tpu.wait_indirect_dma semaphore(%arg8 : memref<!tpu.dma_semaphore, #tpu.memory_space<semaphore_mem>>) src(%dma_wait3A_349 : memref<1000000x32xf32, #tpu.memory_space<hbm>>) dst(%dma_wait3A_343 : memref<80x32xf32, #tpu.memory_space<vmem>>)
      %dma_wait3A_350 = arith.constant 2 : i32
      %dma_wait3A_351 = arith.constant 1120 : i32
      %dma_wait3A_352 = arith.constant 0 : i32
      %dma_wait3A_353 = tpu.memref_slice %arg6[%dma_wait3A_351, %dma_wait3A_352] : memref<1600x32xf32, #tpu.memory_space<vmem>> -> memref<80x32xf32, #tpu.memory_space<vmem>>
      %dma_wait3A_354 = arith.constant 320 : i32
      %dma_wait3A_355 = tpu.memref_slice %arg5[%dma_wait3A_350, %dma_wait3A_354] : memref<4x400xi32, #tpu.memory_space<vmem>> -> memref<1x80xi32, #tpu.memory_space<vmem>>
      %dma_wait3A_356 = tpu.memref_squeeze %dma_wait3A_355 : memref<1x80xi32, #tpu.memory_space<vmem>> -> memref<80xi32, #tpu.memory_space<vmem>>
      %dma_wait3A_357 = arith.constant 0 : i32
      %dma_wait3A_358 = arith.constant 0 : i32
      %dma_wait3A_359 = tpu.memref_slice %arg3[%dma_wait3A_357, %dma_wait3A_358] : memref<1000000x32xf32, #tpu.memory_space<hbm>> -> memref<1000000x32xf32, #tpu.memory_space<hbm>>
      tpu.wait_indirect_dma semaphore(%arg8 : memref<!tpu.dma_semaphore, #tpu.memory_space<semaphore_mem>>) src(%dma_wait3A_359 : memref<1000000x32xf32, #tpu.memory_space<hbm>>) dst(%dma_wait3A_353 : memref<80x32xf32, #tpu.memory_space<vmem>>)
      %dma_wait3A_360 = arith.constant 3 : i32
      %dma_wait3A_361 = arith.constant 1200 : i32
      %dma_wait3A_362 = arith.constant 0 : i32
      %dma_wait3A_363 = tpu.memref_slice %arg6[%dma_wait3A_361, %dma_wait3A_362] : memref<1600x32xf32, #tpu.memory_space<vmem>> -> memref<80x32xf32, #tpu.memory_space<vmem>>
      %dma_wait3A_364 = arith.constant 0 : i32
      %dma_wait3A_365 = tpu.memref_slice %arg5[%dma_wait3A_360, %dma_wait3A_364] : memref<4x400xi32, #tpu.memory_space<vmem>> -> memref<1x80xi32, #tpu.memory_space<vmem>>
      %dma_wait3A_366 = tpu.memref_squeeze %dma_wait3A_365 : memref<1x80xi32, #tpu.memory_space<vmem>> -> memref<80xi32, #tpu.memory_space<vmem>>
      %dma_wait3A_367 = arith.constant 0 : i32
      %dma_wait3A_368 = arith.constant 0 : i32
      %dma_wait3A_369 = tpu.memref_slice %arg3[%dma_wait3A_367, %dma_wait3A_368] : memref<1000000x32xf32, #tpu.memory_space<hbm>> -> memref<1000000x32xf32, #tpu.memory_space<hbm>>
      tpu.wait_indirect_dma semaphore(%arg8 : memref<!tpu.dma_semaphore, #tpu.memory_space<semaphore_mem>>) src(%dma_wait3A_369 : memref<1000000x32xf32, #tpu.memory_space<hbm>>) dst(%dma_wait3A_363 : memref<80x32xf32, #tpu.memory_space<vmem>>)
      %dma_wait3A_370 = arith.constant 3 : i32
      %dma_wait3A_371 = arith.constant 1280 : i32
      %dma_wait3A_372 = arith.constant 0 : i32
      %dma_wait3A_373 = tpu.memref_slice %arg6[%dma_wait3A_371, %dma_wait3A_372] : memref<1600x32xf32, #tpu.memory_space<vmem>> -> memref<80x32xf32, #tpu.memory_space<vmem>>
      %dma_wait3A_374 = arith.constant 80 : i32
      %dma_wait3A_375 = tpu.memref_slice %arg5[%dma_wait3A_370, %dma_wait3A_374] : memref<4x400xi32, #tpu.memory_space<vmem>> -> memref<1x80xi32, #tpu.memory_space<vmem>>
      %dma_wait3A_376 = tpu.memref_squeeze %dma_wait3A_375 : memref<1x80xi32, #tpu.memory_space<vmem>> -> memref<80xi32, #tpu.memory_space<vmem>>
      %dma_wait3A_377 = arith.constant 0 : i32
      %dma_wait3A_378 = arith.constant 0 : i32
      %dma_wait3A_379 = tpu.memref_slice %arg3[%dma_wait3A_377, %dma_wait3A_378] : memref<1000000x32xf32, #tpu.memory_space<hbm>> -> memref<1000000x32xf32, #tpu.memory_space<hbm>>
      tpu.wait_indirect_dma semaphore(%arg8 : memref<!tpu.dma_semaphore, #tpu.memory_space<semaphore_mem>>) src(%dma_wait3A_379 : memref<1000000x32xf32, #tpu.memory_space<hbm>>) dst(%dma_wait3A_373 : memref<80x32xf32, #tpu.memory_space<vmem>>)
      %dma_wait3A_380 = arith.constant 3 : i32
      %dma_wait3A_381 = arith.constant 1360 : i32
      %dma_wait3A_382 = arith.constant 0 : i32
      %dma_wait3A_383 = tpu.memref_slice %arg6[%dma_wait3A_381, %dma_wait3A_382] : memref<1600x32xf32, #tpu.memory_space<vmem>> -> memref<80x32xf32, #tpu.memory_space<vmem>>
      %dma_wait3A_384 = arith.constant 160 : i32
      %dma_wait3A_385 = tpu.memref_slice %arg5[%dma_wait3A_380, %dma_wait3A_384] : memref<4x400xi32, #tpu.memory_space<vmem>> -> memref<1x80xi32, #tpu.memory_space<vmem>>
      %dma_wait3A_386 = tpu.memref_squeeze %dma_wait3A_385 : memref<1x80xi32, #tpu.memory_space<vmem>> -> memref<80xi32, #tpu.memory_space<vmem>>
      %dma_wait3A_387 = arith.constant 0 : i32
      %dma_wait3A_388 = arith.constant 0 : i32
      %dma_wait3A_389 = tpu.memref_slice %arg3[%dma_wait3A_387, %dma_wait3A_388] : memref<1000000x32xf32, #tpu.memory_space<hbm>> -> memref<1000000x32xf32, #tpu.memory_space<hbm>>
      tpu.wait_indirect_dma semaphore(%arg8 : memref<!tpu.dma_semaphore, #tpu.memory_space<semaphore_mem>>) src(%dma_wait3A_389 : memref<1000000x32xf32, #tpu.memory_space<hbm>>) dst(%dma_wait3A_383 : memref<80x32xf32, #tpu.memory_space<vmem>>)
      %dma_wait3A_390 = arith.constant 3 : i32
      %dma_wait3A_391 = arith.constant 1440 : i32
      %dma_wait3A_392 = arith.constant 0 : i32
      %dma_wait3A_393 = tpu.memref_slice %arg6[%dma_wait3A_391, %dma_wait3A_392] : memref<1600x32xf32, #tpu.memory_space<vmem>> -> memref<80x32xf32, #tpu.memory_space<vmem>>
      %dma_wait3A_394 = arith.constant 240 : i32
      %dma_wait3A_395 = tpu.memref_slice %arg5[%dma_wait3A_390, %dma_wait3A_394] : memref<4x400xi32, #tpu.memory_space<vmem>> -> memref<1x80xi32, #tpu.memory_space<vmem>>
      %dma_wait3A_396 = tpu.memref_squeeze %dma_wait3A_395 : memref<1x80xi32, #tpu.memory_space<vmem>> -> memref<80xi32, #tpu.memory_space<vmem>>
      %dma_wait3A_397 = arith.constant 0 : i32
      %dma_wait3A_398 = arith.constant 0 : i32
      %dma_wait3A_399 = tpu.memref_slice %arg3[%dma_wait3A_397, %dma_wait3A_398] : memref<1000000x32xf32, #tpu.memory_space<hbm>> -> memref<1000000x32xf32, #tpu.memory_space<hbm>>
      tpu.wait_indirect_dma semaphore(%arg8 : memref<!tpu.dma_semaphore, #tpu.memory_space<semaphore_mem>>) src(%dma_wait3A_399 : memref<1000000x32xf32, #tpu.memory_space<hbm>>) dst(%dma_wait3A_393 : memref<80x32xf32, #tpu.memory_space<vmem>>)
      %dma_wait3A_400 = arith.constant 3 : i32
      %dma_wait3A_401 = arith.constant 1520 : i32
      %dma_wait3A_402 = arith.constant 0 : i32
      %dma_wait3A_403 = tpu.memref_slice %arg6[%dma_wait3A_401, %dma_wait3A_402] : memref<1600x32xf32, #tpu.memory_space<vmem>> -> memref<80x32xf32, #tpu.memory_space<vmem>>
      %dma_wait3A_404 = arith.constant 320 : i32
      %dma_wait3A_405 = tpu.memref_slice %arg5[%dma_wait3A_400, %dma_wait3A_404] : memref<4x400xi32, #tpu.memory_space<vmem>> -> memref<1x80xi32, #tpu.memory_space<vmem>>
      %dma_wait3A_406 = tpu.memref_squeeze %dma_wait3A_405 : memref<1x80xi32, #tpu.memory_space<vmem>> -> memref<80xi32, #tpu.memory_space<vmem>>
      %dma_wait3A_407 = arith.constant 0 : i32
      %dma_wait3A_408 = arith.constant 0 : i32
      %dma_wait3A_409 = tpu.memref_slice %arg3[%dma_wait3A_407, %dma_wait3A_408] : memref<1000000x32xf32, #tpu.memory_space<hbm>> -> memref<1000000x32xf32, #tpu.memory_space<hbm>>
      tpu.wait_indirect_dma semaphore(%arg8 : memref<!tpu.dma_semaphore, #tpu.memory_space<semaphore_mem>>) src(%dma_wait3A_409 : memref<1000000x32xf32, #tpu.memory_space<hbm>>) dst(%dma_wait3A_403 : memref<80x32xf32, #tpu.memory_space<vmem>>)
      %scan3A_410 = arith.constant 0 : i32
      %scan3A_411 = arith.constant 0 : i32
      %scan3A_412 = arith.constant 80 : i32
      %scan3A_413 = arith.addi %scan3A_411, %scan3A_412 : i32
      %scan3A_414 = arith.constant 1 : i32
      scf.for %scan3A_416 = %scan3A_411 to %scan3A_413 step %scan3A_414  : i32 {
        %jit3A = arith.constant 20 : i32
        %div3A = arith.divsi %scan3A_416, %jit3A : i32
        %sign3A = arith.constant 0 : i32
        %sign3A_417 = arith.cmpi sgt, %scan3A_416, %sign3A : i32
        %sign3A_418 = arith.extui %sign3A_417 : i1 to i32
        %sign3A_419 = arith.constant 0 : i32
        %sign3A_420 = arith.cmpi slt, %scan3A_416, %sign3A_419 : i32
        %sign3A_421 = arith.extui %sign3A_420 : i1 to i32
        %sign3A_422 = arith.subi %sign3A_418, %sign3A_421 : i32
        %sign3A_423 = arith.constant 0 : i32
        %sign3A_424 = arith.cmpi sgt, %jit3A, %sign3A_423 : i32
        %sign3A_425 = arith.extui %sign3A_424 : i1 to i32
        %sign3A_426 = arith.constant 0 : i32
        %sign3A_427 = arith.cmpi slt, %jit3A, %sign3A_426 : i32
        %sign3A_428 = arith.extui %sign3A_427 : i1 to i32
        %sign3A_429 = arith.subi %sign3A_425, %sign3A_428 : i32
        %ne3A = arith.cmpi ne, %sign3A_422, %sign3A_429 : i32
        %rem3A = arith.remsi %scan3A_416, %jit3A : i32
        %ne3A_430 = arith.constant 0 : i32
        %ne3A_431 = arith.cmpi ne, %rem3A, %ne3A_430 : i32
        %and3A = arith.andi %ne3A, %ne3A_431 : i1
        %sub3A = arith.constant 1 : i32
        %sub3A_432 = arith.subi %div3A, %sub3A : i32
        %select_n3A = arith.select %and3A, %sub3A_432, %div3A : i32
        %mul3A_433 = arith.constant 20 : i32
        %mul3A_434 = arith.muli %select_n3A, %mul3A_433 : i32
        %sub3A_435 = arith.subi %scan3A_416, %mul3A_434 : i32
        %mul3A_436 = arith.constant 400 : i32
        %mul3A_437 = arith.muli %select_n3A, %mul3A_436 : i32
        %add3A_438 = arith.addi %mul3A_437, %sub3A_435 : i32
        %get3A = arith.index_cast %add3A_438 : i32 to index
        %get3A_439 = arith.constant 0 : index
        %get3A_440 = tpu.vector_load %arg6[%get3A, %get3A_439] {strides = array<i32>} : memref<1600x32xf32, #tpu.memory_space<vmem>>, vector<1x16xf32>,
        %get3A_441 = vector.shape_cast %get3A_440 : vector<1x16xf32> to vector<16xf32>
        %get3A_442 = arith.index_cast %add3A_438 : i32 to index
        %get3A_443 = arith.constant 16 : index
        %get3A_444 = tpu.vector_load %arg6[%get3A_442, %get3A_443] {strides = array<i32>} : memref<1600x32xf32, #tpu.memory_space<vmem>>, vector<1x16xf32>,
        %get3A_445 = vector.shape_cast %get3A_444 : vector<1x16xf32> to vector<16xf32>
        %add3A_446 = arith.constant 20 : i32
        %add3A_447 = arith.addi %add3A_438, %add3A_446 : i32
        %get3A_448 = arith.index_cast %add3A_447 : i32 to index
        %get3A_449 = arith.constant 0 : index
        %get3A_450 = tpu.vector_load %arg6[%get3A_448, %get3A_449] {strides = array<i32>} : memref<1600x32xf32, #tpu.memory_space<vmem>>, vector<1x16xf32>,
        %get3A_451 = vector.shape_cast %get3A_450 : vector<1x16xf32> to vector<16xf32>
        %add3A_452 = arith.addf %get3A_441, %get3A_451 : vector<16xf32>
        %add3A_453 = arith.constant 20 : i32
        %add3A_454 = arith.addi %add3A_438, %add3A_453 : i32
        %get3A_455 = arith.index_cast %add3A_454 : i32 to index
        %get3A_456 = arith.constant 16 : index
        %get3A_457 = tpu.vector_load %arg6[%get3A_455, %get3A_456] {strides = array<i32>} : memref<1600x32xf32, #tpu.memory_space<vmem>>, vector<1x16xf32>,
        %get3A_458 = vector.shape_cast %get3A_457 : vector<1x16xf32> to vector<16xf32>
        %add3A_459 = arith.addf %get3A_445, %get3A_458 : vector<16xf32>
        %add3A_460 = arith.constant 40 : i32
        %add3A_461 = arith.addi %add3A_438, %add3A_460 : i32
        %get3A_462 = arith.index_cast %add3A_461 : i32 to index
        %get3A_463 = arith.constant 0 : index
        %get3A_464 = tpu.vector_load %arg6[%get3A_462, %get3A_463] {strides = array<i32>} : memref<1600x32xf32, #tpu.memory_space<vmem>>, vector<1x16xf32>,
        %get3A_465 = vector.shape_cast %get3A_464 : vector<1x16xf32> to vector<16xf32>
        %add3A_466 = arith.addf %add3A_452, %get3A_465 : vector<16xf32>
        %add3A_467 = arith.constant 40 : i32
        %add3A_468 = arith.addi %add3A_438, %add3A_467 : i32
        %get3A_469 = arith.index_cast %add3A_468 : i32 to index
        %get3A_470 = arith.constant 16 : index
        %get3A_471 = tpu.vector_load %arg6[%get3A_469, %get3A_470] {strides = array<i32>} : memref<1600x32xf32, #tpu.memory_space<vmem>>, vector<1x16xf32>,
        %get3A_472 = vector.shape_cast %get3A_471 : vector<1x16xf32> to vector<16xf32>
        %add3A_473 = arith.addf %add3A_459, %get3A_472 : vector<16xf32>
        %add3A_474 = arith.constant 60 : i32
        %add3A_475 = arith.addi %add3A_438, %add3A_474 : i32
        %get3A_476 = arith.index_cast %add3A_475 : i32 to index
        %get3A_477 = arith.constant 0 : index
        %get3A_478 = tpu.vector_load %arg6[%get3A_476, %get3A_477] {strides = array<i32>} : memref<1600x32xf32, #tpu.memory_space<vmem>>, vector<1x16xf32>,
        %get3A_479 = vector.shape_cast %get3A_478 : vector<1x16xf32> to vector<16xf32>
        %add3A_480 = arith.addf %add3A_466, %get3A_479 : vector<16xf32>
        %add3A_481 = arith.constant 60 : i32
        %add3A_482 = arith.addi %add3A_438, %add3A_481 : i32
        %get3A_483 = arith.index_cast %add3A_482 : i32 to index
        %get3A_484 = arith.constant 16 : index
        %get3A_485 = tpu.vector_load %arg6[%get3A_483, %get3A_484] {strides = array<i32>} : memref<1600x32xf32, #tpu.memory_space<vmem>>, vector<1x16xf32>,
        %get3A_486 = vector.shape_cast %get3A_485 : vector<1x16xf32> to vector<16xf32>
        %add3A_487 = arith.addf %add3A_473, %get3A_486 : vector<16xf32>
        %add3A_488 = arith.constant 80 : i32
        %add3A_489 = arith.addi %add3A_438, %add3A_488 : i32
        %get3A_490 = arith.index_cast %add3A_489 : i32 to index
        %get3A_491 = arith.constant 0 : index
        %get3A_492 = tpu.vector_load %arg6[%get3A_490, %get3A_491] {strides = array<i32>} : memref<1600x32xf32, #tpu.memory_space<vmem>>, vector<1x16xf32>,
        %get3A_493 = vector.shape_cast %get3A_492 : vector<1x16xf32> to vector<16xf32>
        %add3A_494 = arith.addf %add3A_480, %get3A_493 : vector<16xf32>
        %add3A_495 = arith.constant 80 : i32
        %add3A_496 = arith.addi %add3A_438, %add3A_495 : i32
        %get3A_497 = arith.index_cast %add3A_496 : i32 to index
        %get3A_498 = arith.constant 16 : index
        %get3A_499 = tpu.vector_load %arg6[%get3A_497, %get3A_498] {strides = array<i32>} : memref<1600x32xf32, #tpu.memory_space<vmem>>, vector<1x16xf32>,
        %get3A_500 = vector.shape_cast %get3A_499 : vector<1x16xf32> to vector<16xf32>
        %add3A_501 = arith.addf %add3A_487, %get3A_500 : vector<16xf32>
        %add3A_502 = arith.constant 100 : i32
        %add3A_503 = arith.addi %add3A_438, %add3A_502 : i32
        %get3A_504 = arith.index_cast %add3A_503 : i32 to index
        %get3A_505 = arith.constant 0 : index
        %get3A_506 = tpu.vector_load %arg6[%get3A_504, %get3A_505] {strides = array<i32>} : memref<1600x32xf32, #tpu.memory_space<vmem>>, vector<1x16xf32>,
        %get3A_507 = vector.shape_cast %get3A_506 : vector<1x16xf32> to vector<16xf32>
        %add3A_508 = arith.addf %add3A_494, %get3A_507 : vector<16xf32>
        %add3A_509 = arith.constant 100 : i32
        %add3A_510 = arith.addi %add3A_438, %add3A_509 : i32
        %get3A_511 = arith.index_cast %add3A_510 : i32 to index
        %get3A_512 = arith.constant 16 : index
        %get3A_513 = tpu.vector_load %arg6[%get3A_511, %get3A_512] {strides = array<i32>} : memref<1600x32xf32, #tpu.memory_space<vmem>>, vector<1x16xf32>,
        %get3A_514 = vector.shape_cast %get3A_513 : vector<1x16xf32> to vector<16xf32>
        %add3A_515 = arith.addf %add3A_501, %get3A_514 : vector<16xf32>
        %add3A_516 = arith.constant 120 : i32
        %add3A_517 = arith.addi %add3A_438, %add3A_516 : i32
        %get3A_518 = arith.index_cast %add3A_517 : i32 to index
        %get3A_519 = arith.constant 0 : index
        %get3A_520 = tpu.vector_load %arg6[%get3A_518, %get3A_519] {strides = array<i32>} : memref<1600x32xf32, #tpu.memory_space<vmem>>, vector<1x16xf32>,
        %get3A_521 = vector.shape_cast %get3A_520 : vector<1x16xf32> to vector<16xf32>
        %add3A_522 = arith.addf %add3A_508, %get3A_521 : vector<16xf32>
        %add3A_523 = arith.constant 120 : i32
        %add3A_524 = arith.addi %add3A_438, %add3A_523 : i32
        %get3A_525 = arith.index_cast %add3A_524 : i32 to index
        %get3A_526 = arith.constant 16 : index
        %get3A_527 = tpu.vector_load %arg6[%get3A_525, %get3A_526] {strides = array<i32>} : memref<1600x32xf32, #tpu.memory_space<vmem>>, vector<1x16xf32>,
        %get3A_528 = vector.shape_cast %get3A_527 : vector<1x16xf32> to vector<16xf32>
        %add3A_529 = arith.addf %add3A_515, %get3A_528 : vector<16xf32>
        %add3A_530 = arith.constant 140 : i32
        %add3A_531 = arith.addi %add3A_438, %add3A_530 : i32
        %get3A_532 = arith.index_cast %add3A_531 : i32 to index
        %get3A_533 = arith.constant 0 : index
        %get3A_534 = tpu.vector_load %arg6[%get3A_532, %get3A_533] {strides = array<i32>} : memref<1600x32xf32, #tpu.memory_space<vmem>>, vector<1x16xf32>,
        %get3A_535 = vector.shape_cast %get3A_534 : vector<1x16xf32> to vector<16xf32>
        %add3A_536 = arith.addf %add3A_522, %get3A_535 : vector<16xf32>
        %add3A_537 = arith.constant 140 : i32
        %add3A_538 = arith.addi %add3A_438, %add3A_537 : i32
        %get3A_539 = arith.index_cast %add3A_538 : i32 to index
        %get3A_540 = arith.constant 16 : index
        %get3A_541 = tpu.vector_load %arg6[%get3A_539, %get3A_540] {strides = array<i32>} : memref<1600x32xf32, #tpu.memory_space<vmem>>, vector<1x16xf32>,
        %get3A_542 = vector.shape_cast %get3A_541 : vector<1x16xf32> to vector<16xf32>
        %add3A_543 = arith.addf %add3A_529, %get3A_542 : vector<16xf32>
        %add3A_544 = arith.constant 160 : i32
        %add3A_545 = arith.addi %add3A_438, %add3A_544 : i32
        %get3A_546 = arith.index_cast %add3A_545 : i32 to index
        %get3A_547 = arith.constant 0 : index
        %get3A_548 = tpu.vector_load %arg6[%get3A_546, %get3A_547] {strides = array<i32>} : memref<1600x32xf32, #tpu.memory_space<vmem>>, vector<1x16xf32>,
        %get3A_549 = vector.shape_cast %get3A_548 : vector<1x16xf32> to vector<16xf32>
        %add3A_550 = arith.addf %add3A_536, %get3A_549 : vector<16xf32>
        %add3A_551 = arith.constant 160 : i32
        %add3A_552 = arith.addi %add3A_438, %add3A_551 : i32
        %get3A_553 = arith.index_cast %add3A_552 : i32 to index
        %get3A_554 = arith.constant 16 : index
        %get3A_555 = tpu.vector_load %arg6[%get3A_553, %get3A_554] {strides = array<i32>} : memref<1600x32xf32, #tpu.memory_space<vmem>>, vector<1x16xf32>,
        %get3A_556 = vector.shape_cast %get3A_555 : vector<1x16xf32> to vector<16xf32>
        %add3A_557 = arith.addf %add3A_543, %get3A_556 : vector<16xf32>
        %add3A_558 = arith.constant 180 : i32
        %add3A_559 = arith.addi %add3A_438, %add3A_558 : i32
        %get3A_560 = arith.index_cast %add3A_559 : i32 to index
        %get3A_561 = arith.constant 0 : index
        %get3A_562 = tpu.vector_load %arg6[%get3A_560, %get3A_561] {strides = array<i32>} : memref<1600x32xf32, #tpu.memory_space<vmem>>, vector<1x16xf32>,
        %get3A_563 = vector.shape_cast %get3A_562 : vector<1x16xf32> to vector<16xf32>
        %add3A_564 = arith.addf %add3A_550, %get3A_563 : vector<16xf32>
        %add3A_565 = arith.constant 180 : i32
        %add3A_566 = arith.addi %add3A_438, %add3A_565 : i32
        %get3A_567 = arith.index_cast %add3A_566 : i32 to index
        %get3A_568 = arith.constant 16 : index
        %get3A_569 = tpu.vector_load %arg6[%get3A_567, %get3A_568] {strides = array<i32>} : memref<1600x32xf32, #tpu.memory_space<vmem>>, vector<1x16xf32>,
        %get3A_570 = vector.shape_cast %get3A_569 : vector<1x16xf32> to vector<16xf32>
        %add3A_571 = arith.addf %add3A_557, %get3A_570 : vector<16xf32>
        %add3A_572 = arith.constant 200 : i32
        %add3A_573 = arith.addi %add3A_438, %add3A_572 : i32
        %get3A_574 = arith.index_cast %add3A_573 : i32 to index
        %get3A_575 = arith.constant 0 : index
        %get3A_576 = tpu.vector_load %arg6[%get3A_574, %get3A_575] {strides = array<i32>} : memref<1600x32xf32, #tpu.memory_space<vmem>>, vector<1x16xf32>,
        %get3A_577 = vector.shape_cast %get3A_576 : vector<1x16xf32> to vector<16xf32>
        %add3A_578 = arith.addf %add3A_564, %get3A_577 : vector<16xf32>
        %add3A_579 = arith.constant 200 : i32
        %add3A_580 = arith.addi %add3A_438, %add3A_579 : i32
        %get3A_581 = arith.index_cast %add3A_580 : i32 to index
        %get3A_582 = arith.constant 16 : index
        %get3A_583 = tpu.vector_load %arg6[%get3A_581, %get3A_582] {strides = array<i32>} : memref<1600x32xf32, #tpu.memory_space<vmem>>, vector<1x16xf32>,
        %get3A_584 = vector.shape_cast %get3A_583 : vector<1x16xf32> to vector<16xf32>
        %add3A_585 = arith.addf %add3A_571, %get3A_584 : vector<16xf32>
        %add3A_586 = arith.constant 220 : i32
        %add3A_587 = arith.addi %add3A_438, %add3A_586 : i32
        %get3A_588 = arith.index_cast %add3A_587 : i32 to index
        %get3A_589 = arith.constant 0 : index
        %get3A_590 = tpu.vector_load %arg6[%get3A_588, %get3A_589] {strides = array<i32>} : memref<1600x32xf32, #tpu.memory_space<vmem>>, vector<1x16xf32>,
        %get3A_591 = vector.shape_cast %get3A_590 : vector<1x16xf32> to vector<16xf32>
        %add3A_592 = arith.addf %add3A_578, %get3A_591 : vector<16xf32>
        %add3A_593 = arith.constant 220 : i32
        %add3A_594 = arith.addi %add3A_438, %add3A_593 : i32
        %get3A_595 = arith.index_cast %add3A_594 : i32 to index
        %get3A_596 = arith.constant 16 : index
        %get3A_597 = tpu.vector_load %arg6[%get3A_595, %get3A_596] {strides = array<i32>} : memref<1600x32xf32, #tpu.memory_space<vmem>>, vector<1x16xf32>,
        %get3A_598 = vector.shape_cast %get3A_597 : vector<1x16xf32> to vector<16xf32>
        %add3A_599 = arith.addf %add3A_585, %get3A_598 : vector<16xf32>
        %add3A_600 = arith.constant 240 : i32
        %add3A_601 = arith.addi %add3A_438, %add3A_600 : i32
        %get3A_602 = arith.index_cast %add3A_601 : i32 to index
        %get3A_603 = arith.constant 0 : index
        %get3A_604 = tpu.vector_load %arg6[%get3A_602, %get3A_603] {strides = array<i32>} : memref<1600x32xf32, #tpu.memory_space<vmem>>, vector<1x16xf32>,
        %get3A_605 = vector.shape_cast %get3A_604 : vector<1x16xf32> to vector<16xf32>
        %add3A_606 = arith.addf %add3A_592, %get3A_605 : vector<16xf32>
        %add3A_607 = arith.constant 240 : i32
        %add3A_608 = arith.addi %add3A_438, %add3A_607 : i32
        %get3A_609 = arith.index_cast %add3A_608 : i32 to index
        %get3A_610 = arith.constant 16 : index
        %get3A_611 = tpu.vector_load %arg6[%get3A_609, %get3A_610] {strides = array<i32>} : memref<1600x32xf32, #tpu.memory_space<vmem>>, vector<1x16xf32>,
        %get3A_612 = vector.shape_cast %get3A_611 : vector<1x16xf32> to vector<16xf32>
        %add3A_613 = arith.addf %add3A_599, %get3A_612 : vector<16xf32>
        %add3A_614 = arith.constant 260 : i32
        %add3A_615 = arith.addi %add3A_438, %add3A_614 : i32
        %get3A_616 = arith.index_cast %add3A_615 : i32 to index
        %get3A_617 = arith.constant 0 : index
        %get3A_618 = tpu.vector_load %arg6[%get3A_616, %get3A_617] {strides = array<i32>} : memref<1600x32xf32, #tpu.memory_space<vmem>>, vector<1x16xf32>,
        %get3A_619 = vector.shape_cast %get3A_618 : vector<1x16xf32> to vector<16xf32>
        %add3A_620 = arith.addf %add3A_606, %get3A_619 : vector<16xf32>
        %add3A_621 = arith.constant 260 : i32
        %add3A_622 = arith.addi %add3A_438, %add3A_621 : i32
        %get3A_623 = arith.index_cast %add3A_622 : i32 to index
        %get3A_624 = arith.constant 16 : index
        %get3A_625 = tpu.vector_load %arg6[%get3A_623, %get3A_624] {strides = array<i32>} : memref<1600x32xf32, #tpu.memory_space<vmem>>, vector<1x16xf32>,
        %get3A_626 = vector.shape_cast %get3A_625 : vector<1x16xf32> to vector<16xf32>
        %add3A_627 = arith.addf %add3A_613, %get3A_626 : vector<16xf32>
        %add3A_628 = arith.constant 280 : i32
        %add3A_629 = arith.addi %add3A_438, %add3A_628 : i32
        %get3A_630 = arith.index_cast %add3A_629 : i32 to index
        %get3A_631 = arith.constant 0 : index
        %get3A_632 = tpu.vector_load %arg6[%get3A_630, %get3A_631] {strides = array<i32>} : memref<1600x32xf32, #tpu.memory_space<vmem>>, vector<1x16xf32>,
        %get3A_633 = vector.shape_cast %get3A_632 : vector<1x16xf32> to vector<16xf32>
        %add3A_634 = arith.addf %add3A_620, %get3A_633 : vector<16xf32>
        %add3A_635 = arith.constant 280 : i32
        %add3A_636 = arith.addi %add3A_438, %add3A_635 : i32
        %get3A_637 = arith.index_cast %add3A_636 : i32 to index
        %get3A_638 = arith.constant 16 : index
        %get3A_639 = tpu.vector_load %arg6[%get3A_637, %get3A_638] {strides = array<i32>} : memref<1600x32xf32, #tpu.memory_space<vmem>>, vector<1x16xf32>,
        %get3A_640 = vector.shape_cast %get3A_639 : vector<1x16xf32> to vector<16xf32>
        %add3A_641 = arith.addf %add3A_627, %get3A_640 : vector<16xf32>
        %add3A_642 = arith.constant 300 : i32
        %add3A_643 = arith.addi %add3A_438, %add3A_642 : i32
        %get3A_644 = arith.index_cast %add3A_643 : i32 to index
        %get3A_645 = arith.constant 0 : index
        %get3A_646 = tpu.vector_load %arg6[%get3A_644, %get3A_645] {strides = array<i32>} : memref<1600x32xf32, #tpu.memory_space<vmem>>, vector<1x16xf32>,
        %get3A_647 = vector.shape_cast %get3A_646 : vector<1x16xf32> to vector<16xf32>
        %add3A_648 = arith.addf %add3A_634, %get3A_647 : vector<16xf32>
        %add3A_649 = arith.constant 300 : i32
        %add3A_650 = arith.addi %add3A_438, %add3A_649 : i32
        %get3A_651 = arith.index_cast %add3A_650 : i32 to index
        %get3A_652 = arith.constant 16 : index
        %get3A_653 = tpu.vector_load %arg6[%get3A_651, %get3A_652] {strides = array<i32>} : memref<1600x32xf32, #tpu.memory_space<vmem>>, vector<1x16xf32>,
        %get3A_654 = vector.shape_cast %get3A_653 : vector<1x16xf32> to vector<16xf32>
        %add3A_655 = arith.addf %add3A_641, %get3A_654 : vector<16xf32>
        %add3A_656 = arith.constant 320 : i32
        %add3A_657 = arith.addi %add3A_438, %add3A_656 : i32
        %get3A_658 = arith.index_cast %add3A_657 : i32 to index
        %get3A_659 = arith.constant 0 : index
        %get3A_660 = tpu.vector_load %arg6[%get3A_658, %get3A_659] {strides = array<i32>} : memref<1600x32xf32, #tpu.memory_space<vmem>>, vector<1x16xf32>,
        %get3A_661 = vector.shape_cast %get3A_660 : vector<1x16xf32> to vector<16xf32>
        %add3A_662 = arith.addf %add3A_648, %get3A_661 : vector<16xf32>
        %add3A_663 = arith.constant 320 : i32
        %add3A_664 = arith.addi %add3A_438, %add3A_663 : i32
        %get3A_665 = arith.index_cast %add3A_664 : i32 to index
        %get3A_666 = arith.constant 16 : index
        %get3A_667 = tpu.vector_load %arg6[%get3A_665, %get3A_666] {strides = array<i32>} : memref<1600x32xf32, #tpu.memory_space<vmem>>, vector<1x16xf32>,
        %get3A_668 = vector.shape_cast %get3A_667 : vector<1x16xf32> to vector<16xf32>
        %add3A_669 = arith.addf %add3A_655, %get3A_668 : vector<16xf32>
        %add3A_670 = arith.constant 340 : i32
        %add3A_671 = arith.addi %add3A_438, %add3A_670 : i32
        %get3A_672 = arith.index_cast %add3A_671 : i32 to index
        %get3A_673 = arith.constant 0 : index
        %get3A_674 = tpu.vector_load %arg6[%get3A_672, %get3A_673] {strides = array<i32>} : memref<1600x32xf32, #tpu.memory_space<vmem>>, vector<1x16xf32>,
        %get3A_675 = vector.shape_cast %get3A_674 : vector<1x16xf32> to vector<16xf32>
        %add3A_676 = arith.addf %add3A_662, %get3A_675 : vector<16xf32>
        %add3A_677 = arith.constant 340 : i32
        %add3A_678 = arith.addi %add3A_438, %add3A_677 : i32
        %get3A_679 = arith.index_cast %add3A_678 : i32 to index
        %get3A_680 = arith.constant 16 : index
        %get3A_681 = tpu.vector_load %arg6[%get3A_679, %get3A_680] {strides = array<i32>} : memref<1600x32xf32, #tpu.memory_space<vmem>>, vector<1x16xf32>,
        %get3A_682 = vector.shape_cast %get3A_681 : vector<1x16xf32> to vector<16xf32>
        %add3A_683 = arith.addf %add3A_669, %get3A_682 : vector<16xf32>
        %add3A_684 = arith.constant 360 : i32
        %add3A_685 = arith.addi %add3A_438, %add3A_684 : i32
        %get3A_686 = arith.index_cast %add3A_685 : i32 to index
        %get3A_687 = arith.constant 0 : index
        %get3A_688 = tpu.vector_load %arg6[%get3A_686, %get3A_687] {strides = array<i32>} : memref<1600x32xf32, #tpu.memory_space<vmem>>, vector<1x16xf32>,
        %get3A_689 = vector.shape_cast %get3A_688 : vector<1x16xf32> to vector<16xf32>
        %add3A_690 = arith.addf %add3A_676, %get3A_689 : vector<16xf32>
        %add3A_691 = arith.constant 360 : i32
        %add3A_692 = arith.addi %add3A_438, %add3A_691 : i32
        %get3A_693 = arith.index_cast %add3A_692 : i32 to index
        %get3A_694 = arith.constant 16 : index
        %get3A_695 = tpu.vector_load %arg6[%get3A_693, %get3A_694] {strides = array<i32>} : memref<1600x32xf32, #tpu.memory_space<vmem>>, vector<1x16xf32>,
        %get3A_696 = vector.shape_cast %get3A_695 : vector<1x16xf32> to vector<16xf32>
        %add3A_697 = arith.addf %add3A_683, %get3A_696 : vector<16xf32>
        %add3A_698 = arith.constant 380 : i32
        %add3A_699 = arith.addi %add3A_438, %add3A_698 : i32
        %get3A_700 = arith.index_cast %add3A_699 : i32 to index
        %get3A_701 = arith.constant 0 : index
        %get3A_702 = tpu.vector_load %arg6[%get3A_700, %get3A_701] {strides = array<i32>} : memref<1600x32xf32, #tpu.memory_space<vmem>>, vector<1x16xf32>,
        %get3A_703 = vector.shape_cast %get3A_702 : vector<1x16xf32> to vector<16xf32>
        %add3A_704 = arith.addf %add3A_690, %get3A_703 : vector<16xf32>
        %add3A_705 = arith.constant 380 : i32
        %add3A_706 = arith.addi %add3A_438, %add3A_705 : i32
        %get3A_707 = arith.index_cast %add3A_706 : i32 to index
        %get3A_708 = arith.constant 16 : index
        %get3A_709 = tpu.vector_load %arg6[%get3A_707, %get3A_708] {strides = array<i32>} : memref<1600x32xf32, #tpu.memory_space<vmem>>, vector<1x16xf32>,
        %get3A_710 = vector.shape_cast %get3A_709 : vector<1x16xf32> to vector<16xf32>
        %add3A_711 = arith.addf %add3A_697, %get3A_710 : vector<16xf32>
        %swap3A = arith.index_cast %select_n3A : i32 to index
        %swap3A_712 = arith.index_cast %sub3A_435 : i32 to index
        %swap3A_713 = arith.constant 0 : index
        %swap3A_714 = tpu.vector_load %arg7[%swap3A, %swap3A_712, %swap3A_713] {strides = array<i32>} : memref<4x20x32xf32, #tpu.memory_space<vmem>>, vector<1x1x16xf32>,
        %swap3A_715 = vector.shape_cast %swap3A_714 : vector<1x1x16xf32> to vector<16xf32>
        %swap3A_716 = vector.shape_cast %add3A_704 : vector<16xf32> to vector<1x1x16xf32>
        tpu.vector_store %arg7[%swap3A, %swap3A_712, %swap3A_713], %swap3A_716 {strides = array<i32>} : memref<4x20x32xf32, #tpu.memory_space<vmem>>, vector<1x1x16xf32>,
        %swap3A_717 = arith.index_cast %select_n3A : i32 to index
        %swap3A_718 = arith.index_cast %sub3A_435 : i32 to index
        %swap3A_719 = arith.constant 16 : index
        %swap3A_720 = tpu.vector_load %arg7[%swap3A_717, %swap3A_718, %swap3A_719] {strides = array<i32>} : memref<4x20x32xf32, #tpu.memory_space<vmem>>, vector<1x1x16xf32>,
        %swap3A_721 = vector.shape_cast %swap3A_720 : vector<1x1x16xf32> to vector<16xf32>
        %swap3A_722 = vector.shape_cast %add3A_711 : vector<16xf32> to vector<1x1x16xf32>
        tpu.vector_store %arg7[%swap3A_717, %swap3A_718, %swap3A_719], %swap3A_722 {strides = array<i32>} : memref<4x20x32xf32, #tpu.memory_space<vmem>>, vector<1x1x16xf32>,
      }
      %scan3A_415 = arith.constant 80 : i32
      %run_scoped3A = arith.constant 0 : i32
      "tpu.region"() ({
        %run_scoped3A_416 = tpu.sem_alloc : memref<!tpu.dma_semaphore, #tpu.memory_space<semaphore_mem>>
        %dma_start3A_417 = arith.constant 0 : i32
        %dma_start3A_418 = arith.constant 0 : i32
        %dma_start3A_419 = tpu.memref_slice %arg4[%add3A_11, %run_scoped3A, %dma_start3A_417, %dma_start3A_418] : memref<4096x1x20x32xf32, #tpu.memory_space<hbm>> -> memref<4x1x20x32xf32, #tpu.memory_space<hbm>>
        %dma_start3A_420 = tpu.memref_squeeze %dma_start3A_419 : memref<4x1x20x32xf32, #tpu.memory_space<hbm>> -> memref<4x20x32xf32, #tpu.memory_space<hbm>>
        %dma_start3A_421 = arith.constant 0 : i32
        %dma_start3A_422 = arith.constant 0 : i32
        %dma_start3A_423 = tpu.memref_slice %arg4[%add3A_11, %run_scoped3A, %dma_start3A_421, %dma_start3A_422] : memref<4096x1x20x32xf32, #tpu.memory_space<hbm>> -> memref<4x1x20x32xf32, #tpu.memory_space<hbm>>
        %dma_start3A_424 = tpu.memref_squeeze %dma_start3A_423 : memref<4x1x20x32xf32, #tpu.memory_space<hbm>> -> memref<4x20x32xf32, #tpu.memory_space<hbm>>
        tpu.enqueue_dma source(%arg7 : memref<4x20x32xf32, #tpu.memory_space<vmem>>) target(%dma_start3A_424 : memref<4x20x32xf32, #tpu.memory_space<hbm>>) target_semaphore(%run_scoped3A_416 : memref<!tpu.dma_semaphore, #tpu.memory_space<semaphore_mem>>)
        %dma_wait3A_425 = arith.constant 0 : i32
        %dma_wait3A_426 = arith.constant 0 : i32
        %dma_wait3A_427 = tpu.memref_slice %arg4[%add3A_11, %run_scoped3A, %dma_wait3A_425, %dma_wait3A_426] : memref<4096x1x20x32xf32, #tpu.memory_space<hbm>> -> memref<4x1x20x32xf32, #tpu.memory_space<hbm>>
        %dma_wait3A_428 = tpu.memref_squeeze %dma_wait3A_427 : memref<4x1x20x32xf32, #tpu.memory_space<hbm>> -> memref<4x20x32xf32, #tpu.memory_space<hbm>>
        %dma_wait3A_429 = arith.constant 0 : i32
        %dma_wait3A_430 = arith.constant 0 : i32
        %dma_wait3A_431 = tpu.memref_slice %arg4[%add3A_11, %run_scoped3A, %dma_wait3A_429, %dma_wait3A_430] : memref<4096x1x20x32xf32, #tpu.memory_space<hbm>> -> memref<4x1x20x32xf32, #tpu.memory_space<hbm>>
        %dma_wait3A_432 = tpu.memref_squeeze %dma_wait3A_431 : memref<4x1x20x32xf32, #tpu.memory_space<hbm>> -> memref<4x20x32xf32, #tpu.memory_space<hbm>>
        tpu.wait_dma2 semaphore(%run_scoped3A_416 : memref<!tpu.dma_semaphore, #tpu.memory_space<semaphore_mem>>) src(%arg7 : memref<4x20x32xf32, #tpu.memory_space<vmem>>) dst(%dma_wait3A_432 : memref<4x20x32xf32, #tpu.memory_space<hbm>>)
        tpu.yield
      }) : () -> ()
    }
    %scan3A_7 = arith.constant 32 : i32
    return
  }
}

</mosaic_0001>

<sc_bundles>
// kernel: kernel.3.cloned.1.call-start
scs
__scs_entry_jumppad:
0x0: {  	(pc) =	sbr.rel $0x88, $3  }
0x1: {  	(tag) =	ssettag $0x0;
	lr =	simm.s32 $0x1  }
0x2: {  	[smem:$0x3F9F] =	sst lr;
	_ =	strace $0xD0000000  }
0x3: {  	_ = 	snop  }
0x4: {  	_ = 	snop  }
0x5: {  	_ = 	snop  }
0x6: {  	_ = 	snop  }
0x7: {  	_ = 	snop  }
__scs_overlays_trampoline_lowered:
0x8: {  	[smem:$0x3FAE] =	sst s0  }
0x9: {  	[smem:$0x3FAF] =	sst s1  }
0xa: {  	[smem:$0x3FB0] =	sst s2  }
0xb: {  	[smem:$0x3FB1] =	sst s3  }
0xc: {  	[smem:$0x3FB2] =	sst s4  }
0xd: {  	[smem:$0x3FB3] =	sst s5  }
0xe: {  	[smem:$0x3FB4] =	sst s6  }
0xf: {  	[smem:$0x3FB5] =	sst s7  }
0x10: {  	[smem:$0x3FB6] =	sst s8  }
0x11: {  	[smem:$0x3FB7] =	sst s9;
	s0 =	simm.s32 @!p0 $0x0  }
0x12: {  	s1 =	sld [smem:$0x3F9D];
	s0 =	simm.s32 @p0 $0x1  }
0x13: {  	[smem:$0x3FB8] =	sst s0;
	s0 =	simm.s32 @!p1 $0x0  }
0x14: {  	s2 =	sld [smem:$0x3F9C];
	s0 =	simm.s32 @p1 $0x1  }
0x15: {  	[smem:$0x3FB9] =	sst s0;
	s0 =	simm.s32 @!p2 $0x0  }
0x16: {  	s3 =	sld [smem:$0x3FDB];
	s0 =	simm.s32 @p2 $0x1  }
0x17: {  	s4 =	simm.s32 $0x1BF5;
	[smem:$0x3FBB] =	sst s0  }
0x18: {  	s0 =	sld [smem:$0x3F9E];
	_ =	swait.ge [sflag:s4], $0x0  }
0x19: {  	s7 =	sld [smem:$0x3F9F]  }
0x1a: {  	s8 =	sadd.s32 $0xFFFFE003, lr  }
0x1b: {  	s9 =	sadd.s32 $0xFFFFFEF7, lr;
	s5 =	simm.s32 $0xFFFFFFFF;
	p2 =	slt.u32 s8, $0xFFFFF086  }
0x1c: {  	p1 =	slt.u32 s9, $0xF7A;
	s5 =	simm.s32 @!p2 $0x0  }
0x1d: {  	s5 =	simm.s32 @p1 $0x1;
	p0 =	seq.s32 s7, s2  }
0x1e: {  	s7 =	smul.u32 @!p0 $0xF7A, s2;
	p2 =	seq.s32 @!p0 s5, $0x0  }
0x1f: {  	s9 =	smul.u32 $0xF7A, s1;
	s8 =	simm.s32 @!p0 $0x1BF5;
	p2 =	por !p2, p0  }
0x20: {  	[sflag:s8] =	ssyncset.s32 @!p0 $0xFFFFF086;
	s6 =	sadd.s32 @!p0 s3, s7;
	s7 =	simm.s32 @!p0 $0x108  }
0x21: {  	s3 =	sadd.s32 s3, s9;
	s6 =	sadd.s32 @!p0 $0x88, s6;
	s7 =	simm.s32 @p2 $0x1082  }
0x22: {  	[simem:s7], [sflag:s8] =	dma.local @!p0 [hbm:s6], $0xF7A  }
0x23: {  	s9 =	sor.u32 $0xD0000000, s2;
	s6 =	simm.s32 $0x108;
	_ =	swait.ge @!p0 [sflag:s8], $0x0  }
0x24: {  	s3 =	sadd.s32 $0x88, s3;
	s6 =	simm.s32 @!p1 $0x1082;
	[sflag:s4] =	ssyncset.s32 $0xFFFFF086  }
0x25: {  	[simem:s6], [sflag:s4] =	dma.local [hbm:s3], $0xF7A  }
0x26: {  	[smem:$0x3F9F] =	sst s1;
	(tag) =	ssettag s2;
	_ =	strace s9  }
0x27: {  	s1 =	sld [smem:$0x3FAF]  }
0x28: {  	s2 =	sld [smem:$0x3FB0]  }
0x29: {  	s4 =	sld [smem:$0x3FB2]  }
0x2a: {  	p0 =	seq.s32 s5, $0x0;
	s5 =	sld [smem:$0x3FB3]  }
0x2b: {  	s6 =	sld [smem:$0x3FB4]  }
0x2c: {  	s7 =	sld [smem:$0x3FB5]  }
0x2d: {  	s3 =	simm.s32 $0x108;
	s8 =	sld [smem:$0x3FB6]  }
0x2e: {  	s3 =	simm.s32 @!p0 $0x1082;
	s9 =	sld [smem:$0x3FB7]  }
0x2f: {  	lr =	sadd.s32 s0, s3;
	s0 =	sld [smem:$0x3FAE]  }
0x30: {  	s3 =	sld [smem:$0x3FB1]  }
0x31: {  	[smem:$0x3FBA] =	sst s10  }
0x32: {  	s10 =	sld [smem:$0x3FB8];
	_ =	sdelay $0x3  }
0x33: {  	p0 =	seq.s32 s10, $0x1;
	s10 =	sld [smem:$0x3FBA];
	_ =	sdelay $0x3  }
0x34: {  	[smem:$0x3FBA] =	sst s10  }
0x35: {  	s10 =	sld [smem:$0x3FB9];
	_ =	sdelay $0x3  }
0x36: {  	p1 =	seq.s32 s10, $0x1;
	s10 =	sld [smem:$0x3FBA];
	_ =	sdelay $0x3  }
0x37: {  	[smem:$0x3FBA] =	sst s10  }
0x38: {  	s10 =	sld [smem:$0x3FBB]  }
0x39: {  	_ = 	snop;
	(pc) =	sbr.ind lr, $3  }
0x3a: {  	_ = 	snop  }
0x3b: {  	_ = 	snop  }
0x3c: {  	p2 =	seq.s32 s10, $0x1;
	s10 =	sld [smem:$0x3FBA]  }
0x3d: {  	_ =	shalt  }
0x3e: {  	_ =	shalt  }
0x3f: {  	_ =	shalt  }
0x40: {  	_ =	shalt  }
0x41: {  	_ =	shalt  }
0x42: {  	_ =	shalt  }
0x43: {  	_ =	shalt  }
0x44: {  	_ =	shalt  }
0x45: {  	_ =	shalt  }
0x46: {  	_ =	shalt  }
0x47: {  	_ =	shalt  }
0x48: {  	_ =	shalt  }
0x49: {  	_ =	shalt  }
0x4a: {  	_ =	shalt  }
0x4b: {  	_ =	shalt  }
0x4c: {  	_ =	shalt  }
0x4d: {  	_ =	shalt  }
0x4e: {  	_ =	shalt  }
0x4f: {  	_ =	shalt  }
0x50: {  	_ =	shalt  }
0x51: {  	_ =	shalt  }
0x52: {  	_ =	shalt  }
0x53: {  	_ =	shalt  }
0x54: {  	_ =	shalt  }
0x55: {  	_ =	shalt  }
0x56: {  	_ =	shalt  }
0x57: {  	_ =	shalt  }
0x58: {  	_ =	shalt  }
0x59: {  	_ =	shalt  }
0x5a: {  	_ =	shalt  }
0x5b: {  	_ =	shalt  }
0x5c: {  	_ =	shalt  }
0x5d: {  	_ =	shalt  }
0x5e: {  	_ =	shalt  }
0x5f: {  	_ =	shalt  }
0x60: {  	_ =	shalt  }
0x61: {  	_ =	shalt  }
0x62: {  	_ =	shalt  }
0x63: {  	_ =	shalt  }
0x64: {  	_ =	shalt  }
0x65: {  	_ =	shalt  }
0x66: {  	_ =	shalt  }
0x67: {  	_ =	shalt  }
0x68: {  	_ =	shalt  }
0x69: {  	_ =	shalt  }
0x6a: {  	_ =	shalt  }
0x6b: {  	_ =	shalt  }
0x6c: {  	_ =	shalt  }
0x6d: {  	_ =	shalt  }
0x6e: {  	_ =	shalt  }
0x6f: {  	_ =	shalt  }
0x70: {  	_ =	shalt  }
0x71: {  	_ =	shalt  }
0x72: {  	_ =	shalt  }
0x73: {  	_ =	shalt  }
0x74: {  	_ =	shalt  }
0x75: {  	_ =	shalt  }
0x76: {  	_ =	shalt  }
0x77: {  	_ =	shalt  }
0x78: {  	_ =	shalt  }
0x79: {  	_ =	shalt  }
0x7a: {  	_ =	shalt  }
0x7b: {  	_ =	shalt  }
0x7c: {  	_ =	shalt  }
0x7d: {  	_ =	shalt  }
0x7e: {  	_ =	shalt  }
0x7f: {  	_ =	shalt  }
0x80: {  	_ =	shalt  }
0x81: {  	_ =	shalt  }
0x82: {  	_ =	shalt  }
0x83: {  	_ =	shalt  }
0x84: {  	_ =	shalt  }
0x85: {  	_ =	shalt  }
0x86: {  	_ =	shalt  }
0x87: {  	_ =	shalt  }
.Lfunc_end0:
.L_simem_size_0:
called_computation_lowered:
.L_overlay_start_0:
0x88: {  	s2 =	sld [smem:$0x3FD9]  }
0x89: {  	s3 =	sld [smem:$0x3FFE];
	_ =	sdelay $0x1  }
0x8a: {  	s1 =	srdreg.scid  }
0x8b: {  	s0 =	sand.u32 $0x1, s1  }
0x8c: {  	s17 =	sshll.u32 s0, $0xA;
	s2 =	sadd.s32 s3, s2  }
0x8d: {  	s2 =	sadd.s32 s2, s17  }
0x8e: {  	[smem:$0x3FC6] =	sst s2  }
0x8f: {  	_ = 	snop  }
0x90: {  	s2 =	sld [smem:$0x3FD0];
	(tm) =	ssettm $0x1  }
0x91: {  	s18 =	sld [smem:$0x3FFB];
	_ =	sdelay $0x3  }
0x92: {  	_ =	strace s18  }
0x93: {  	s3 =	sld [smem:$0x3FFC];
	_ =	sdelay $0x3  }
0x94: {  	_ =	strace s3  }
0x95: {  	s3 =	sld [smem:$0x3FFD];
	_ =	sdelay $0x3  }
0x96: {  	_ =	strace s3  }
0x97: {  	_ =	strace $0x8FFFFFFF  }
0x98: {  	s19 =	sld [smem:$0x3FDB];
	_ =	sdelay $0x1  }
0x99: {  	s4 =	simm.s32 $_scs_section_size  }
0x9a: {  	s5 =	simm.s32 $_size__tile_overlayer_lowered;
	s6 =	simm.s32 $_tile_overlayer_lowered  }
0x9b: {  	s22 =	simm.s32 $0x1BFF;
	s21 =	sshll.u32 s6, $0x1;
	s3 =	sadd.s32 s4, s19  }
0x9c: {  	s7 =	simm.s32 $0x0;
	s20 =	sshll.u32 s5, $0x1;
	s5 =	sadd.s32 s21, s3  }
0x9d: {  	[timem:s7], [sflag:s22] =	dma.local [hbm:s5], s20  }
0x9e: {  	_ =	swait.ge [sflag:s22], s20  }
0x9f: {  	s4 =	ssub.s32 $0x0, s20;
	[sflag:s22] =	ssyncset.done $0x0  }
0xa0: {  	[sflag:s22] =	ssyncadd.s32 s4;
	_ =	sdelay $0x1  }
0xa1: {  	s23 =	simm.s32 $0x1B8B  }
0xa2: {  	_ =	swait.ge [sflag:s23], $0x1  }
0xa3: {  	[sflag:s23] =	ssyncset.done $0x0  }
0xa4: {  	s25 =	simm.s32 $0x1B8E;
	s24 =	sld [smem:$0x3FFE];
	[sflag:s23] =	ssyncadd.s32 $0xFFFFFFFF  }
0xa5: {  	s26 =	simm.s32 $execute0_lowered;
	[smem:$0x3FD2] =	sst s25  }
0xa6: {  	s5 =	sshll.u32 s26, $0x1;
	_ =	strace $0x80000046;
	[dreg:$0x1] =	wrdreg $0xFFFFFFFF  }
0xa7: {  	s28 =	simm.s32 $_size_execute0_lowered;
	s3 =	sadd.s32 s3, s5;
	[dreg:$0x0] =	wrdreg $0x0  }
0xa8: {  	s5 =	sshll.u32 s28, $0x1;
	[dreg:$0x2] =	wrdreg s3  }
0xa9: {  	[dreg:$0x3] =	wrdreg s5  }
0xaa: {  	[dreg:$0x4] =	wrdreg $0xC0  }
0xab: {  	_ =	task [dreg:s7], $0x5FFFF  }
0xac: {  	[dreg:$0x1] =	wrdreg $0xFFFFFFFF  }
0xad: {  	[dreg:$0x0] =	wrdreg $0x60  }
0xae: {  	[dreg:$0x2] =	wrdreg s24  }
0xaf: {  	[dreg:$0x3] =	wrdreg s2  }
0xb0: {  	[dreg:$0x4] =	wrdreg $0x9  }
0xb1: {  	_ =	task.clear_ibuf [dreg:s7], $0x5FFFF;
	_ =	strace $0x90000046  }
0xb2: {  	s29 =	simm.s32 $0x9;
	_ =	strace $0x80000048  }
0xb3: {  	_ =	swait.ge [sflag:s29], $0x1  }
0xb4: {  	[sflag:s29] =	ssyncadd.s32 $0xFFFFFFFF  }
0xb5: {  	_ =	strace $0x90000048  }
0xb6: {  	_ =	sfence  }
0xb7: {  	s30 =	sld [smem:$0x0];
	_ =	sdelay $0x2  }
0xb8: {  	s31 =	sshll.u32 s1, $0xD;
	s1 =	sshrl.u32 s1, $0x2  }
0xb9: {  	s3 =	sand.u32 $0x4000, s31;
	s1 =	sadd.s32 s1, s30  }
0xba: {  	s0 =	sor.u32 s3, s0;
	s1 =	sshll.u32 s1, $0x11  }
0xbb: {  	s0 =	sor.u32 s1, s0  }
0xbc: {  	s0 =	sadd.s32 $0x8F2B, s0  }
0xbd: {  	[sflag:s0] =	ssyncadd.remote.s32 $0x1  }
0xbe: {  	_ =	sfence.sel $0xFFFF  }
0xbf: {  	[dreg:$0x0] =	wrdreg $0xFFFFFFFF;
	(pc) =	sbr.abs _section_cstart, $3  }
0xc0: {  	[dreg:$0x1] =	wrdreg $0xFFFFFFFF  }
0xc1: {  	_ =	task.clear_ibuf [dreg:s7], $0x2FFFF;
	_ =	strace $0x9FFFFFFF  }
0xc2: {  	(tm) =	ssettm $0x7FFFFFFF  }
0xc3: {  	_ =	shalt  }
tec
execute0_lowered:
.L_overlay_start_1:
0x0: {  	(tag) =	ssettag $0x1  }
0x1: {  	s0 =	rddreg [dreg:$0x0];
	s2 =	simm.s32 $0x0;
	s1 =	srdreg.scid  }
0x2: {  	s3 =	stileid.u32;
	s8 =	simm.s32 $0x2;
	s9 =	simm.s32 $0x50  }
0x3: {  	s10 =	simm.s32 $0x460;
	s11 =	simm.s32 $0x9240;
	s12 =	simm.s32 $0x4B0  }
0x4: {  	s13 =	simm.s32 $0x9C40;
	s14 =	simm.s32 $0x500;
	s15 =	simm.s32 $0xA640  }
0x5: {  	s16 =	simm.s32 $0x550;
	s17 =	simm.s32 $0xB040;
	s18 =	simm.s32 $0x5A0  }
0x6: {  	s19 =	simm.s32 $0xBA40;
	s20 =	simm.s32 $0x5F0;
	s21 =	simm.s32 $0xC440  }
0x7: {  	s22 =	simm.s32 $0x1;
	s23 =	simm.s32 $0xCE40;
	s1 =	sand.u32 $0x1, s1  }
0x8: {  	[smem:$0x7FF] =	sst s2;
	s4 =	sadd.s32 $0x600, s0;
	s29 =	ssub.s32 $0x2, s1  }
0x9: {  	s5 =	sadd.s32 $0xF42A00, s0;
	s31 =	sshll.u32 s3, $0x8;
	s30 =	sshrl.u32 s29, $0x1  }
0xa: {  	s2 =	simm.s32 $0x8840;
	s3 =	simm.s32 $0x0;
	s0 =	ssub.s32 s29, s30  }
0xb: {  	_ =	strace $0x80000047;
	s1 =	sshll.u32 s1, $0x7;
	s0 =	smax.u32 s0, $0x1  }
0xc: {  	s6 =	sor.u32 s1, s31;
	s1 =	simm.s32 $0x410;
	[dreg:$0x3] =	wrdreg s0  }
.LBB2_1:
0xd: {  	[dreg:$0x4] =	wrdreg s3;
	s24 =	simm.s32 $0x0  }
.LBB2_2:
0xe: {  	s0 =	sshll.u32 s24, $0x2  }
0xf: {  	s25 =	sadd.s32 s6, s0  }
0x10: {  	s0 =	smul.u32 $0x32, s25;
	_ =	sdelay $0x1  }
0x11: {  	s3 =	sadd.s32 s4, s0;
	s0 =	simm.s32 $0x0  }
0x12: {  	[tilespmem:s0], [sflag:$0x2] =	stream.linear.gather [hbm4b:s3+s0], $0x640, $0x38;
	[tilespmem:$0xD840] =	vst v63  }
0x13: {  	_ =	swait.ge [sflag:s8], $0x640  }
0x14: {  	[sflag:s8] =	ssyncset.done $0x0  }
0x15: {  	s26 =	simm.s32 $0x640;
	[sflag:s8] =	ssyncadd.s32 $0xFFFFF9C0  }
0x16: {  	[tilespmem:s26], [sflag:$0x1] =	stream.indirect.gather [hbm4b:s5+s9], $0x20, s0, s9, $0xb8;
	[tilespmem:$0xD840] =	vst v63  }
0x17: {  	s7 =	simm.s32 $0x1040  }
0x18: {  	[tilespmem:s7], [sflag:$0x1] =	stream.indirect.gather [hbm4b:s5+s9], $0x20, s9, s9, $0xb8;
	[tilespmem:$0xD840] =	vst v63  }
0x19: {  	s26 =	simm.s32 $0xA0;
	s7 =	simm.s32 $0x1A40  }
0x1a: {  	[tilespmem:s7], [sflag:$0x1] =	stream.indirect.gather [hbm4b:s5+s9], $0x20, s26, s9, $0xb8;
	[tilespmem:$0xD840] =	vst v63  }
0x1b: {  	s7 =	simm.s32 $0xF0;
	s26 =	simm.s32 $0x2440  }
0x1c: {  	[tilespmem:s26], [sflag:$0x1] =	stream.indirect.gather [hbm4b:s5+s9], $0x20, s7, s9, $0xb8;
	[tilespmem:$0xD840] =	vst v63  }
0x1d: {  	s7 =	simm.s32 $0x140;
	s26 =	simm.s32 $0x2E40  }
0x1e: {  	[tilespmem:s26], [sflag:$0x1] =	stream.indirect.gather [hbm4b:s5+s9], $0x20, s7, s9, $0xb8;
	[tilespmem:$0xD840] =	vst v63  }
0x1f: {  	s7 =	simm.s32 $0x190;
	s26 =	simm.s32 $0x3840  }
0x20: {  	[tilespmem:s26], [sflag:$0x1] =	stream.indirect.gather [hbm4b:s5+s9], $0x20, s7, s9, $0xb8;
	[tilespmem:$0xD840] =	vst v63  }
0x21: {  	s7 =	simm.s32 $0x1E0;
	s26 =	simm.s32 $0x4240  }
0x22: {  	[tilespmem:s26], [sflag:$0x1] =	stream.indirect.gather [hbm4b:s5+s9], $0x20, s7, s9, $0xb8;
	[tilespmem:$0xD840] =	vst v63  }
0x23: {  	s7 =	simm.s32 $0x230;
	s26 =	simm.s32 $0x4C40  }
0x24: {  	[tilespmem:s26], [sflag:$0x1] =	stream.indirect.gather [hbm4b:s5+s9], $0x20, s7, s9, $0xb8;
	[tilespmem:$0xD840] =	vst v63  }
0x25: {  	s7 =	simm.s32 $0x280;
	s26 =	simm.s32 $0x5640  }
0x26: {  	[tilespmem:s26], [sflag:$0x1] =	stream.indirect.gather [hbm4b:s5+s9], $0x20, s7, s9, $0xb8;
	[tilespmem:$0xD840] =	vst v63  }
0x27: {  	s7 =	simm.s32 $0x2D0;
	s26 =	simm.s32 $0x6040  }
0x28: {  	[tilespmem:s26], [sflag:$0x1] =	stream.indirect.gather [hbm4b:s5+s9], $0x20, s7, s9, $0xb8;
	[tilespmem:$0xD840] =	vst v63  }
0x29: {  	s7 =	simm.s32 $0x320;
	s26 =	simm.s32 $0x6A40  }
0x2a: {  	[tilespmem:s26], [sflag:$0x1] =	stream.indirect.gather [hbm4b:s5+s9], $0x20, s7, s9, $0xb8;
	[tilespmem:$0xD840] =	vst v63  }
0x2b: {  	s7 =	simm.s32 $0x370;
	s26 =	simm.s32 $0x7440  }
0x2c: {  	[tilespmem:s26], [sflag:$0x1] =	stream.indirect.gather [hbm4b:s5+s9], $0x20, s7, s9, $0xb8;
	[tilespmem:$0xD840] =	vst v63  }
0x2d: {  	s7 =	simm.s32 $0x3C0;
	s26 =	simm.s32 $0x7E40  }
0x2e: {  	[tilespmem:s26], [sflag:$0x1] =	stream.indirect.gather [hbm4b:s5+s9], $0x20, s7, s9, $0xb8;
	[tilespmem:$0xD840] =	vst v63  }
0x2f: {  	_ = 	snop  }
0x30: {  	[tilespmem:s2], [sflag:$0x1] =	stream.indirect.gather [hbm4b:s5+s9], $0x20, s1, s9, $0xb8;
	[tilespmem:$0xD840] =	vst v63  }
0x31: {  	_ = 	snop  }
0x32: {  	[tilespmem:s11], [sflag:$0x1] =	stream.indirect.gather [hbm4b:s5+s9], $0x20, s10, s9, $0xb8;
	[tilespmem:$0xD840] =	vst v63  }
0x33: {  	_ = 	snop  }
0x34: {  	[tilespmem:s13], [sflag:$0x1] =	stream.indirect.gather [hbm4b:s5+s9], $0x20, s12, s9, $0xb8;
	[tilespmem:$0xD840] =	vst v63  }
0x35: {  	_ = 	snop  }
0x36: {  	[tilespmem:s15], [sflag:$0x1] =	stream.indirect.gather [hbm4b:s5+s9], $0x20, s14, s9, $0xb8;
	[tilespmem:$0xD840] =	vst v63  }
0x37: {  	_ = 	snop  }
0x38: {  	[tilespmem:s17], [sflag:$0x1] =	stream.indirect.gather [hbm4b:s5+s9], $0x20, s16, s9, $0xb8;
	[tilespmem:$0xD840] =	vst v63  }
0x39: {  	_ = 	snop  }
0x3a: {  	[tilespmem:s19], [sflag:$0x1] =	stream.indirect.gather [hbm4b:s5+s9], $0x20, s18, s9, $0xb8;
	[tilespmem:$0xD840] =	vst v63  }
0x3b: {  	_ = 	snop  }
0x3c: {  	[tilespmem:s21], [sflag:$0x1] =	stream.indirect.gather [hbm4b:s5+s9], $0x20, s20, s9, $0xb8;
	[tilespmem:$0xD840] =	vst v63  }
0x3d: {  	_ =	swait.ge [sflag:s22], $0xA00  }
0x3e: {  	[sflag:s22] =	ssyncset.done $0x0  }
0x3f: {  	[sflag:s22] =	ssyncadd.s32 $0xFFFFF600  }
0x40: {  	_ =	swait.ge [sflag:s22], $0xA00  }
0x41: {  	[sflag:s22] =	ssyncset.done $0x0  }
0x42: {  	[sflag:s22] =	ssyncadd.s32 $0xFFFFF600  }
0x43: {  	_ =	swait.ge [sflag:s22], $0xA00  }
0x44: {  	[sflag:s22] =	ssyncset.done $0x0  }
0x45: {  	[sflag:s22] =	ssyncadd.s32 $0xFFFFF600  }
0x46: {  	_ =	swait.ge [sflag:s22], $0xA00  }
0x47: {  	[sflag:s22] =	ssyncset.done $0x0  }
0x48: {  	[sflag:s22] =	ssyncadd.s32 $0xFFFFF600  }
0x49: {  	_ =	swait.ge [sflag:s22], $0xA00  }
0x4a: {  	[sflag:s22] =	ssyncset.done $0x0  }
0x4b: {  	[sflag:s22] =	ssyncadd.s32 $0xFFFFF600  }
0x4c: {  	_ =	swait.ge [sflag:s22], $0xA00  }
0x4d: {  	[sflag:s22] =	ssyncset.done $0x0  }
0x4e: {  	[sflag:s22] =	ssyncadd.s32 $0xFFFFF600  }
0x4f: {  	_ =	swait.ge [sflag:s22], $0xA00  }
0x50: {  	[sflag:s22] =	ssyncset.done $0x0  }
0x51: {  	[sflag:s22] =	ssyncadd.s32 $0xFFFFF600  }
0x52: {  	_ =	swait.ge [sflag:s22], $0xA00  }
0x53: {  	[sflag:s22] =	ssyncset.done $0x0  }
0x54: {  	[sflag:s22] =	ssyncadd.s32 $0xFFFFF600  }
0x55: {  	_ =	swait.ge [sflag:s22], $0xA00  }
0x56: {  	[sflag:s22] =	ssyncset.done $0x0  }
0x57: {  	[sflag:s22] =	ssyncadd.s32 $0xFFFFF600  }
0x58: {  	_ =	swait.ge [sflag:s22], $0xA00  }
0x59: {  	[sflag:s22] =	ssyncset.done $0x0  }
0x5a: {  	[sflag:s22] =	ssyncadd.s32 $0xFFFFF600  }
0x5b: {  	_ =	swait.ge [sflag:s22], $0xA00  }
0x5c: {  	[sflag:s22] =	ssyncset.done $0x0  }
0x5d: {  	[sflag:s22] =	ssyncadd.s32 $0xFFFFF600  }
0x5e: {  	_ =	swait.ge [sflag:s22], $0xA00  }
0x5f: {  	[sflag:s22] =	ssyncset.done $0x0  }
0x60: {  	[sflag:s22] =	ssyncadd.s32 $0xFFFFF600  }
0x61: {  	_ =	swait.ge [sflag:s22], $0xA00  }
0x62: {  	[sflag:s22] =	ssyncset.done $0x0  }
0x63: {  	[sflag:s22] =	ssyncadd.s32 $0xFFFFF600  }
0x64: {  	_ =	swait.ge [sflag:s22], $0xA00  }
0x65: {  	[sflag:s22] =	ssyncset.done $0x0  }
0x66: {  	[sflag:s22] =	ssyncadd.s32 $0xFFFFF600  }
0x67: {  	_ =	swait.ge [sflag:s22], $0xA00  }
0x68: {  	[sflag:s22] =	ssyncset.done $0x0  }
0x69: {  	[sflag:s22] =	ssyncadd.s32 $0xFFFFF600  }
0x6a: {  	_ =	swait.ge [sflag:s22], $0xA00  }
0x6b: {  	[sflag:s22] =	ssyncset.done $0x0  }
0x6c: {  	[sflag:s22] =	ssyncadd.s32 $0xFFFFF600  }
0x6d: {  	_ =	swait.ge [sflag:s22], $0xA00  }
0x6e: {  	[sflag:s22] =	ssyncset.done $0x0  }
0x6f: {  	[sflag:s22] =	ssyncadd.s32 $0xFFFFF600  }
0x70: {  	_ =	swait.ge [sflag:s22], $0xA00  }
0x71: {  	[sflag:s22] =	ssyncset.done $0x0  }
0x72: {  	s0 =	smulhi.u32 $0xCCCCCCCD, s0;
	[sflag:s22] =	ssyncadd.s32 $0xFFFFF600  }
0x73: {  	_ =	swait.ge [sflag:s22], $0xA00  }
0x74: {  	s0 =	sshrl.u32 s0, $0x4;
	[sflag:s22] =	ssyncset.done $0x0  }
0x75: {  	s0 =	smul.u32 $0xBE00, s0;
	[sflag:s22] =	ssyncadd.s32 $0xFFFFF600  }
0x76: {  	_ =	swait.ge [sflag:s22], $0xA00  }
0x77: {  	s0 =	sshra.s32 s0, $0x2;
	[sflag:s22] =	ssyncset.done $0x0  }
0x78: {  	s28 =	sadd.s32 $0x0, s0;
	[sflag:s22] =	ssyncadd.s32 $0xFFFFF600  }
0x79: {  	v0 =	vld [tilespmem:s28+$0x8D0]  }
0x7a: {  	v1 =	vld [tilespmem:s28+$0x8C0]  }
0x7b: {  	s30 =	simm.s32 $0x1;
	v4 =	vld [tilespmem:s28+$0x640]  }
0x7c: {  	s7 =	smulhi.u32 $0xCCCCCCCD, s30;
	v5 =	vld [tilespmem:s28+$0x650]  }
0x7d: {  	s29 =	simm.s32 $0x80;
	v2 =	vld [tilespmem:s28+$0xB40]  }
0x7e: {  	s31 =	simm.s32 $0x100;
	s26 =	simm.s32 $0x0;
	s0 =	sshrl.u32 s7, $0x4;
	v3 =	vld [tilespmem:s28+$0xB50]  }
.LBB2_3:
0x7f: {  	p0 =	sne.s32 s31, $0x2780  }
0x80: {  	s0 =	smul.u32 $0xBE00, s0;
	v6 =	vld [tilespmem:s28+$0xDC0];
	s3 =	smov.u32 s31;
	s31 =	sadd.s32 $0x80, s31  }
0x81: {  	v1 =	vadd.f32 v1, v4;
	v4 =	vld [tilespmem:s28+$0xDD0]  }
0x82: {  	s7 =	sshra.s32 s0, $0x2;
	s0 =	sshra.s32 s29, $0x2;
	v0 =	vadd.f32 v0, v5;
	v5 =	vld [tilespmem:s28+$0x1040];
	s29 =	smov.u32 s3  }
0x83: {  	s3 =	sadd.s32 s0, s7;
	v1 =	vadd.f32 v2, v1;
	v2 =	vld [tilespmem:s28+$0x1050]  }
0x84: {  	v0 =	vadd.f32 v3, v0;
	v3 =	vld [tilespmem:s28+$0x12C0]  }
0x85: {  	v1 =	vadd.f32 v6, v1;
	v6 =	vld [tilespmem:s28+$0x12D0]  }
0x86: {  	v0 =	vadd.f32 v4, v0;
	v4 =	vld [tilespmem:s28+$0x1540]  }
0x87: {  	v1 =	vadd.f32 v5, v1;
	v5 =	vld [tilespmem:s28+$0x1550]  }
0x88: {  	v0 =	vadd.f32 v2, v0;
	v2 =	vld [tilespmem:s28+$0x17C0]  }
0x89: {  	v1 =	vadd.f32 v3, v1;
	v3 =	vld [tilespmem:s28+$0x17D0]  }
0x8a: {  	v0 =	vadd.f32 v6, v0;
	v6 =	vld [tilespmem:s28+$0x1A40]  }
0x8b: {  	v1 =	vadd.f32 v4, v1;
	v4 =	vld [tilespmem:s28+$0x1A50]  }
0x8c: {  	v0 =	vadd.f32 v5, v0;
	v5 =	vld [tilespmem:s28+$0x1CC0]  }
0x8d: {  	v1 =	vadd.f32 v2, v1;
	v2 =	vld [tilespmem:s28+$0x1CD0]  }
0x8e: {  	v0 =	vadd.f32 v3, v0;
	v3 =	vld [tilespmem:s28+$0x1F40]  }
0x8f: {  	v1 =	vadd.f32 v6, v1;
	v6 =	vld [tilespmem:s28+$0x1F50]  }
0x90: {  	v0 =	vadd.f32 v4, v0;
	v4 =	vld [tilespmem:s28+$0x21C0]  }
0x91: {  	v1 =	vadd.f32 v5, v1;
	v5 =	vld [tilespmem:s28+$0x21D0]  }
0x92: {  	v0 =	vadd.f32 v2, v0;
	v2 =	vld [tilespmem:s28+$0x2440]  }
0x93: {  	v1 =	vadd.f32 v3, v1;
	v3 =	vld [tilespmem:s28+$0x2450]  }
0x94: {  	v0 =	vadd.f32 v6, v0;
	v6 =	vld [tilespmem:s28+$0x26C0]  }
0x95: {  	v1 =	vadd.f32 v4, v1;
	v4 =	vld [tilespmem:s28+$0x26D0]  }
0x96: {  	v0 =	vadd.f32 v5, v0;
	v5 =	vld [tilespmem:s28+$0x2940]  }
0x97: {  	v1 =	vadd.f32 v2, v1;
	v2 =	vld [tilespmem:s28+$0x2950]  }
0x98: {  	v0 =	vadd.f32 v3, v0;
	v3 =	vld [tilespmem:s28+$0x2BC0]  }
0x99: {  	v1 =	vadd.f32 v6, v1;
	v6 =	vld [tilespmem:s28+$0x2BD0]  }
0x9a: {  	v0 =	vadd.f32 v4, v0;
	v4 =	vld [tilespmem:s28+$0x2E40]  }
0x9b: {  	v1 =	vadd.f32 v5, v1;
	v5 =	vld [tilespmem:s28+$0x2E50]  }
0x9c: {  	v0 =	vadd.f32 v2, v0;
	v2 =	vld [tilespmem:s28+$0x30C0]  }
0x9d: {  	v1 =	vadd.f32 v3, v1;
	v3 =	vld [tilespmem:s28+$0x30D0]  }
0x9e: {  	v0 =	vadd.f32 v6, v0;
	v6 =	vld [tilespmem:s28+$0x3340]  }
0x9f: {  	v1 =	vadd.f32 v4, v1;
	v4 =	vld [tilespmem:s28+$0x3350]  }
0xa0: {  	v0 =	vadd.f32 v5, v0;
	v5 =	vld [tilespmem:s28+$0x35C0]  }
0xa1: {  	v1 =	vadd.f32 v2, v1;
	v2 =	vld [tilespmem:s28+$0x35D0];
	s28 =	smov.u32 s3  }
0xa2: {  	v0 =	vadd.f32 v3, v0  }
0xa3: {  	v1 =	vadd.f32 v6, v1  }
0xa4: {  	v0 =	vadd.f32 v4, v0  }
0xa5: {  	v1 =	vadd.f32 v5, v1  }
0xa6: {  	v0 =	vadd.f32 v2, v0  }
0xa7: {  	[tilespmem:s26+$0xCE40] =	vst v1  }
0xa8: {  	[tilespmem:s26+$0xCE50] =	vst v0;
	s26 =	smov.u32 s0  }
0xa9: {  	v0 =	vld [tilespmem:s28+$0x8D0]  }
.Ltmp0:
0xaa: {  	v1 =	vld [tilespmem:s28+$0x8C0];
	(pc) =	sbr.rel @p0 .LBB2_3-.Ltmp0, $4  }
0xab: {  	s30 =	sadd.s32 $0x1, s30;
	v4 =	vld [tilespmem:s28+$0x640]  }
0xac: {  	s0 =	smulhi.u32 $0xCCCCCCCD, s30;
	v5 =	vld [tilespmem:s28+$0x650]  }
0xad: {  	v2 =	vld [tilespmem:s28+$0xB40]  }
0xae: {  	s0 =	sshrl.u32 s0, $0x4;
	v3 =	vld [tilespmem:s28+$0xB50]  }
0xaf: {  	v6 =	vld [tilespmem:s28+$0xDC0]  }
0xb0: {  	v48 =	vld [tilespmem:s28+$0xDD0];
	v1 =	vadd.f32 v1, v4  }
0xb1: {  	v49 =	vld [tilespmem:s28+$0x1040];
	v0 =	vadd.f32 v0, v5  }
0xb2: {  	v50 =	vld [tilespmem:s28+$0x1050];
	v1 =	vadd.f32 v2, v1  }
0xb3: {  	v51 =	vld [tilespmem:s28+$0x12C0];
	v0 =	vadd.f32 v3, v0  }
0xb4: {  	v52 =	vld [tilespmem:s28+$0x12D0];
	v1 =	vadd.f32 v6, v1  }
0xb5: {  	v53 =	vld [tilespmem:s28+$0x1540];
	v0 =	vadd.f32 v48, v0  }
0xb6: {  	v54 =	vld [tilespmem:s28+$0x1550];
	v1 =	vadd.f32 v49, v1  }
0xb7: {  	v55 =	vld [tilespmem:s28+$0x17C0];
	v0 =	vadd.f32 v50, v0  }
0xb8: {  	v56 =	vld [tilespmem:s28+$0x17D0];
	v1 =	vadd.f32 v51, v1  }
0xb9: {  	v57 =	vld [tilespmem:s28+$0x1A40];
	v0 =	vadd.f32 v52, v0  }
0xba: {  	v58 =	vld [tilespmem:s28+$0x1A50];
	v1 =	vadd.f32 v53, v1  }
0xbb: {  	v59 =	vld [tilespmem:s28+$0x1CC0];
	v0 =	vadd.f32 v54, v0  }
0xbc: {  	v60 =	vld [tilespmem:s28+$0x1CD0];
	v1 =	vadd.f32 v55, v1  }
0xbd: {  	v61 =	vld [tilespmem:s28+$0x1F40];
	v0 =	vadd.f32 v56, v0  }
0xbe: {  	v62 =	vld [tilespmem:s28+$0x1F50];
	v1 =	vadd.f32 v57, v1  }
0xbf: {  	v63 =	vld [tilespmem:s28+$0x21C0];
	v0 =	vadd.f32 v58, v0  }
0xc0: {  	v9 =	vld [tilespmem:s28+$0x21D0];
	v1 =	vadd.f32 v59, v1  }
0xc1: {  	v10 =	vld [tilespmem:s28+$0x2440];
	v0 =	vadd.f32 v60, v0  }
0xc2: {  	v11 =	vld [tilespmem:s28+$0x2450];
	v1 =	vadd.f32 v61, v1  }
0xc3: {  	v12 =	vld [tilespmem:s28+$0x26C0];
	v0 =	vadd.f32 v62, v0  }
0xc4: {  	v13 =	vld [tilespmem:s28+$0x26D0];
	v1 =	vadd.f32 v63, v1  }
0xc5: {  	v14 =	vld [tilespmem:s28+$0x2940];
	v0 =	vadd.f32 v9, v0  }
0xc6: {  	v15 =	vld [tilespmem:s28+$0x2950];
	v1 =	vadd.f32 v10, v1  }
0xc7: {  	v16 =	vld [tilespmem:s28+$0x2BC0];
	v0 =	vadd.f32 v11, v0  }
0xc8: {  	v17 =	vld [tilespmem:s28+$0x2BD0];
	v1 =	vadd.f32 v12, v1  }
0xc9: {  	v18 =	vld [tilespmem:s28+$0x2E40];
	v0 =	vadd.f32 v13, v0  }
0xca: {  	v19 =	vld [tilespmem:s28+$0x2E50];
	v1 =	vadd.f32 v14, v1  }
0xcb: {  	v20 =	vld [tilespmem:s28+$0x30C0];
	v0 =	vadd.f32 v15, v0  }
0xcc: {  	v21 =	vld [tilespmem:s28+$0x30D0];
	v1 =	vadd.f32 v16, v1  }
0xcd: {  	v22 =	vld [tilespmem:s28+$0x3340];
	v0 =	vadd.f32 v17, v0  }
0xce: {  	v23 =	vld [tilespmem:s28+$0x3350];
	v1 =	vadd.f32 v18, v1  }
0xcf: {  	v24 =	vld [tilespmem:s28+$0x35C0];
	v0 =	vadd.f32 v19, v0  }
0xd0: {  	v25 =	vld [tilespmem:s28+$0x35D0];
	v1 =	vadd.f32 v20, v1  }
0xd1: {  	v0 =	vadd.f32 v21, v0  }
0xd2: {  	v1 =	vadd.f32 v22, v1  }
0xd3: {  	v0 =	vadd.f32 v23, v0  }
0xd4: {  	s0 =	smul.u32 $0xBE00, s0;
	v1 =	vadd.f32 v24, v1  }
0xd5: {  	v0 =	vadd.f32 v25, v0  }
0xd6: {  	s28 =	sshra.s32 s29, $0x2;
	s3 =	sshra.s32 s0, $0x2;
	[tilespmem:s26+$0xCE40] =	vst v1  }
0xd7: {  	s3 =	sadd.s32 s28, s3;
	[tilespmem:s26+$0xCE50] =	vst v0  }
0xd8: {  	v0 =	vld [tilespmem:s3+$0x8D0]  }
0xd9: {  	v1 =	vld [tilespmem:s3+$0x8C0]  }
0xda: {  	v26 =	vld [tilespmem:s3+$0x640]  }
0xdb: {  	v27 =	vld [tilespmem:s3+$0x650]  }
0xdc: {  	v28 =	vld [tilespmem:s3+$0xB40]  }
0xdd: {  	v29 =	vld [tilespmem:s3+$0xB50]  }
0xde: {  	v30 =	vld [tilespmem:s3+$0xDC0]  }
0xdf: {  	v31 =	vld [tilespmem:s3+$0xDD0];
	v1 =	vadd.f32 v1, v26  }
0xe0: {  	v32 =	vld [tilespmem:s3+$0x1040];
	v0 =	vadd.f32 v0, v27  }
0xe1: {  	v33 =	vld [tilespmem:s3+$0x1050];
	v1 =	vadd.f32 v28, v1  }
0xe2: {  	v34 =	vld [tilespmem:s3+$0x12C0];
	v0 =	vadd.f32 v29, v0  }
0xe3: {  	v35 =	vld [tilespmem:s3+$0x12D0];
	v1 =	vadd.f32 v30, v1  }
0xe4: {  	v36 =	vld [tilespmem:s3+$0x1540];
	v0 =	vadd.f32 v31, v0  }
0xe5: {  	v37 =	vld [tilespmem:s3+$0x1550];
	v1 =	vadd.f32 v32, v1  }
0xe6: {  	v38 =	vld [tilespmem:s3+$0x17C0];
	v0 =	vadd.f32 v33, v0  }
0xe7: {  	v39 =	vld [tilespmem:s3+$0x17D0];
	v1 =	vadd.f32 v34, v1  }
0xe8: {  	v40 =	vld [tilespmem:s3+$0x1A40];
	v0 =	vadd.f32 v35, v0  }
0xe9: {  	v41 =	vld [tilespmem:s3+$0x1A50];
	v1 =	vadd.f32 v36, v1  }
0xea: {  	v42 =	vld [tilespmem:s3+$0x1CC0];
	v0 =	vadd.f32 v37, v0  }
0xeb: {  	v43 =	vld [tilespmem:s3+$0x1CD0];
	v1 =	vadd.f32 v38, v1  }
0xec: {  	v44 =	vld [tilespmem:s3+$0x1F40];
	v0 =	vadd.f32 v39, v0  }
0xed: {  	v45 =	vld [tilespmem:s3+$0x1F50];
	v1 =	vadd.f32 v40, v1  }
0xee: {  	v46 =	vld [tilespmem:s3+$0x21C0];
	v0 =	vadd.f32 v41, v0  }
0xef: {  	v47 =	vld [tilespmem:s3+$0x21D0];
	v1 =	vadd.f32 v42, v1  }
0xf0: {  	v48 =	vld [tilespmem:s3+$0x2440];
	v0 =	vadd.f32 v43, v0  }
0xf1: {  	v49 =	vld [tilespmem:s3+$0x2450];
	v1 =	vadd.f32 v44, v1  }
0xf2: {  	v50 =	vld [tilespmem:s3+$0x26C0];
	v0 =	vadd.f32 v45, v0  }
0xf3: {  	v51 =	vld [tilespmem:s3+$0x26D0];
	v1 =	vadd.f32 v46, v1  }
0xf4: {  	v52 =	vld [tilespmem:s3+$0x2940];
	v0 =	vadd.f32 v47, v0  }
0xf5: {  	v53 =	vld [tilespmem:s3+$0x2950];
	v1 =	vadd.f32 v48, v1  }
0xf6: {  	v54 =	vld [tilespmem:s3+$0x2BC0];
	v0 =	vadd.f32 v49, v0  }
0xf7: {  	v55 =	vld [tilespmem:s3+$0x2BD0];
	v1 =	vadd.f32 v50, v1  }
0xf8: {  	v56 =	vld [tilespmem:s3+$0x2E40];
	v0 =	vadd.f32 v51, v0  }
0xf9: {  	v57 =	vld [tilespmem:s3+$0x2E50];
	v1 =	vadd.f32 v52, v1  }
0xfa: {  	v58 =	vld [tilespmem:s3+$0x30C0];
	v0 =	vadd.f32 v53, v0  }
0xfb: {  	v59 =	vld [tilespmem:s3+$0x30D0];
	v1 =	vadd.f32 v54, v1  }
0xfc: {  	v60 =	vld [tilespmem:s3+$0x3340];
	v0 =	vadd.f32 v55, v0  }
0xfd: {  	v61 =	vld [tilespmem:s3+$0x3350];
	v1 =	vadd.f32 v56, v1  }
0xfe: {  	v62 =	vld [tilespmem:s3+$0x35C0];
	v0 =	vadd.f32 v57, v0  }
0xff: {  	v63 =	vld [tilespmem:s3+$0x35D0];
	v1 =	vadd.f32 v58, v1  }
0x100: {  	v0 =	vadd.f32 v59, v0  }
0x101: {  	v1 =	vadd.f32 v60, v1  }
0x102: {  	v0 =	vadd.f32 v61, v0  }
0x103: {  	v1 =	vadd.f32 v62, v1  }
0x104: {  	s29 =	smul.u32 $0x50, s25;
	s24 =	sadd.s32 $0x1, s24;
	v0 =	vadd.f32 v63, v0  }
0x105: {  	s30 =	rddreg [dreg:$0x1];
	p0 =	sne.s32 s24, $0x20;
	[tilespmem:s28+$0xCE40] =	vst v1  }
.Ltmp1:
0x106: {  	s31 =	simm.s32 $0x0;
	s0 =	sadd.s32 s30, s29;
	[tilespmem:s28+$0xCE50] =	vst v0;
	(pc) =	sbr.rel @p0 .LBB2_2-.Ltmp1, $4  }
0x107: {  	[hbm4b:s0+s31] =	stream.linear.scatter [tilespmem:s23], [sflag:$0x2], $0xA00, $0x38;
	[tilespmem:$0xD840] =	vst v63  }
0x108: {  	_ =	swait.ge [sflag:s8], $0xA00  }
0x109: {  	[sflag:s8] =	ssyncset.done $0x0  }
0x10a: {  	[sflag:s8] =	ssyncadd.s32 $0xFFFFF600  }
0x10b: {  	s3 =	rddreg [dreg:$0x4]  }
0x10c: {  	s0 =	rddreg [dreg:$0x3];
	s3 =	sadd.s32 $0x1, s3  }
0x10d: {  	p0 =	sne.s32 s3, s0  }
.Ltmp2:
0x10e: {  	_ = 	snop;
	(pc) =	sbr.rel @p0 .LBB2_1-.Ltmp2, $1  }
0x10f: {  	_ =	sdelay $0x3  }
0x110: {  	_ =	sfence.sel $0x180000  }
0x111: {  	[bflag:$0x0] =	sbarrier.arrive $0xFFFF  }
0x112: {  	_ =	strace $0x90000047  }
0x113: {  	s0 =	stileid.u32;
	[bflag:$0x2] =	sbarrier.arrive $0xFFFF  }
0x114: {  	p0 =	sne.s32 s0, $0x0;
	s0 =	rddreg [dreg:$0x2]  }
0x115: {  	s0 =	sadd.s32 @!p0 $0x100000, s0  }
0x116: {  	[sflag:s0] =	ssyncadd.tile.s32 @!p0 $0x1;
	_ =	shalt  }
.Lfunc_end2:
_tile_overlayer_lowered:
.L_overlay_start_2:
0x117: {  	(tag) =	ssettag $0x2  }
0x118: {  	s0 =	rddreg [dreg:$0x0];
	s2 =	stileid.u32  }
0x119: {  	s1 =	rddreg [dreg:$0x1];
	p0 =	sne.s32 s2, $0x0  }
0x11a: {  	s3 =	rddreg [dreg:$0x2];
	[bflag:$0x3] =	sbarrier.arrive $0xFFFF;
	s2 =	simm.s32 @!p0 $0x1C02  }
0x11b: {  	[timem:s3], [sflag:s2] =	dma.local @!p0 [hbm:s0], s1  }
0x11c: {  	s0 =	simm.s32 @!p0 $0x2  }
0x11d: {  	_ =	swait.ge @!p0 [sflag:s0], s1  }
0x11e: {  	s1 =	ssub.s32 @!p0 $0x0, s1;
	[sflag:s0] =	ssyncset.done @!p0 $0x0  }
0x11f: {  	[sflag:s0] =	ssyncadd.s32 @!p0 s1  }
0x120: {  	[bflag:$0x3] =	sbarrier.arrive $0xFFFF  }
0x121: {  	_ =	shalt  }

</sc_bundles>
